<compile_context>
chip_gen: v7x
topology: tpu7x:2x2x1
jax: 0.10.2.dev20260603
libtpu: 0.0.44.dev20260713+nightly
codegen_flags: <defaults>
</compile_context>

<pallas_src>
import functools

import jax
import jax.numpy as jnp
from jax import lax
from jax.experimental import pallas as pl
from jax.experimental.pallas import tpu as pltpu
from jax.experimental.pallas import tpu_sc as plsc

NN = 10000
NP = 10240
EE = 320000
NTILES = 32
EPT = EE // NTILES
RPT = NP // 16
DW = 8
CHD = 80
NCHD = EPT // CHD

_MESH = plsc.VectorSubcoreMesh(core_axis_name="c", subcore_axis_name="s")



def _make_edge_sum(D, ch):
    nch = EPT // ch

    @functools.partial(
        pl.kernel,
        out_type=jax.ShapeDtypeStruct((2, NP, D), jnp.float32),
        mesh=_MESH,
        compiler_params=pltpu.CompilerParams(use_tc_tiling_on_sc=False),
        scratch_types=[
            pltpu.VMEM((nch, ch), jnp.int32),
            pltpu.VMEM((nch, ch), jnp.int32),
            pltpu.VMEM((ch, D), jnp.float32),
            pltpu.VMEM_SHARED((NP, D), jnp.float32),
            pltpu.SemaphoreType.DMA,
        ],
    )
    def edge_sum(src_hbm, dst_hbm, y_hbm, zeros_hbm, out_hbm,
                 src_v, dst_v, rows_v, acc, sem):
        c = lax.axis_index("c")
        s = lax.axis_index("s")
        w = c * 16 + s
        z0 = s * RPT
        pltpu.sync_copy(zeros_hbm.at[pl.ds(z0, RPT)], acc.at[pl.ds(z0, RPT)])
        pltpu.sync_copy(src_hbm.at[w], src_v)
        pltpu.sync_copy(dst_hbm.at[w], dst_v)
        plsc.subcore_barrier()

        def body(j, carry):
            pltpu.async_copy(y_hbm.at[src_v.at[j]], rows_v, sem).wait()
            pltpu.sync_copy(rows_v, acc.at[dst_v.at[j]], add=True)
            return carry

        lax.fori_loop(0, nch, body, 0)
        plsc.subcore_barrier()
        pltpu.sync_copy(acc.at[pl.ds(z0, RPT)], out_hbm.at[c, pl.ds(z0, RPT)])

    return edge_sum


@functools.partial(
    pl.kernel,
    out_type=jax.ShapeDtypeStruct((2, NP, DW), jnp.float32),
    mesh=_MESH,
    scratch_types=[
        pltpu.VMEM((NCHD, CHD), jnp.int32),
        pltpu.VMEM((CHD, DW), jnp.float32),
        pltpu.VMEM_SHARED((NP, DW), jnp.float32),
    ],
)
def _degree(dst_hbm, zeros_hbm, ones_hbm, out_hbm, dst_v, ones_v, acc):
    c = lax.axis_index("c")
    s = lax.axis_index("s")
    w = c * 16 + s
    z0 = s * RPT
    pltpu.sync_copy(zeros_hbm.at[pl.ds(z0, RPT)], acc.at[pl.ds(z0, RPT)])
    pltpu.sync_copy(dst_hbm.at[w], dst_v)
    pltpu.sync_copy(ones_hbm, ones_v)
    plsc.subcore_barrier()

    def body(i, carry):
        pltpu.sync_copy(ones_v, acc.at[dst_v.at[i]], add=True)
        return carry

    lax.fori_loop(0, NCHD, body, 0)
    plsc.subcore_barrier()
    pltpu.sync_copy(acc.at[pl.ds(z0, RPT)], out_hbm.at[c, pl.ds(z0, RPT)])


_edge_sum_128 = _make_edge_sum(128, ch=80)
_edge_sum_64 = _make_edge_sum(64, ch=80)



_BLK = 1000
_GRID = (NN // _BLK,)


def _row_spec(d):
    return pl.BlockSpec((_BLK, d), lambda i: (i, 0))


def _full_spec(r, c):
    return pl.BlockSpec((r, c), lambda i: (0, 0))


def _prescale_body(x_ref, w1_ref, c0_ref, c1_ref, y_ref, dinv_ref):
    deg = c0_ref[...] + c1_ref[...] + 1.0
    dinv = lax.rsqrt(deg)
    y_ref[...] = jnp.dot(x_ref[...], w1_ref[...],
                         preferred_element_type=jnp.float32) * dinv
    dinv_ref[...] = dinv


def _tc_prescale(x, w1, cnt0, cnt1):
    return pl.pallas_call(
        _prescale_body,
        grid=_GRID,
        in_specs=[_row_spec(128), _full_spec(128, 128), _row_spec(1), _row_spec(1)],
        out_specs=[_row_spec(128), _row_spec(1)],
        out_shape=[jax.ShapeDtypeStruct((NN, 128), jnp.float32),
                   jax.ShapeDtypeStruct((NN, 1), jnp.float32)],
    )(x, w1, cnt0, cnt1)


def _mid_body(a0_ref, a1_ref, y1_ref, dinv_ref, b1_ref, w2_ref, y2_ref):
    dinv = dinv_ref[...]
    h1 = dinv * (a0_ref[...] + a1_ref[...] + y1_ref[...]) + b1_ref[...]
    h1 = jnp.maximum(h1, 0.0)
    y2_ref[...] = jnp.dot(h1, w2_ref[...],
                          preferred_element_type=jnp.float32) * dinv


def _tc_mid(a0, a1, y1, dinv, b1, w2):
    return pl.pallas_call(
        _mid_body,
        grid=_GRID,
        in_specs=[_row_spec(128), _row_spec(128), _row_spec(128), _row_spec(1),
                  _full_spec(1, 128), _full_spec(128, 64)],
        out_specs=_row_spec(64),
        out_shape=jax.ShapeDtypeStruct((NN, 64), jnp.float32),
    )(a0, a1, y1, dinv, b1, w2)


def _final_body(a0_ref, a1_ref, y2_ref, dinv_ref, b2_ref, wc_ref, bc_ref,
                h2_ref, out_ref):
    h2 = dinv_ref[...] * (a0_ref[...] + a1_ref[...] + y2_ref[...]) + b2_ref[...]
    h2_ref[...] = h2
    out_ref[...] = jnp.dot(h2, wc_ref[...],
                           preferred_element_type=jnp.float32) + bc_ref[...]


def _tc_final(a0, a1, y2, dinv, b2, wc, bc):
    return pl.pallas_call(
        _final_body,
        grid=_GRID,
        in_specs=[_row_spec(64), _row_spec(64), _row_spec(64), _row_spec(1),
                  _full_spec(1, 64), _full_spec(64, 64), _full_spec(1, 64)],
        out_specs=[_row_spec(64), _row_spec(64)],
        out_shape=[jax.ShapeDtypeStruct((NN, 64), jnp.float32),
                   jax.ShapeDtypeStruct((NN, 64), jnp.float32)],
    )(a0, a1, y2, dinv, b2, wc, bc)



def kernel(x, edge_index, W1, b1, W2, b2, Wc, bc):
    src80 = edge_index[0].reshape(NTILES, EPT // 80, 80)
    dst80 = edge_index[1].reshape(NTILES, EPT // 80, 80)

    zeros8 = jnp.zeros((NP, DW), jnp.float32)
    ones8 = jnp.ones((CHD, DW), jnp.float32)
    zeros128 = jnp.zeros((NP, 128), jnp.float32)
    zeros64 = jnp.zeros((NP, 64), jnp.float32)

    deg_o = _degree(dst80, zeros8, ones8)
    cnt0 = deg_o[0, :NN, 0:1]
    cnt1 = deg_o[1, :NN, 0:1]

    y1, dinv = _tc_prescale(x, W1, cnt0, cnt1)

    acc1 = _edge_sum_128(src80, dst80, y1, zeros128)
    y2 = _tc_mid(acc1[0, :NN], acc1[1, :NN], y1, dinv, b1.reshape(1, 128), W2)

    acc2 = _edge_sum_64(src80, dst80, y2, zeros64)
    out, h2 = _tc_final(acc2[0, :NN], acc2[1, :NN], y2, dinv,
                        b2.reshape(1, 64), Wc, bc.reshape(1, 64))
    return (out, h2)

# --- scband reference (transcript-rebuilt; emitter-appended) ---
"""Pipeline reference for scband-gcn-73057393704960 (READ-ONLY COPY).

The authoritative reference and input builder live on the scoring server;
editing this copy changes nothing except your own understanding.
"""

import jax, jax.numpy as jnp
import numpy as np

N = 10000
E = 320000
D_IN = 128
D_H = 128
D_OUT = 64


def setup_inputs(seed: int = 0):
    key = jax.random.key(seed)
    ks = jax.random.split(key, 8)
    x = jax.random.normal(ks[0], (N, D_IN), dtype=jnp.float32)
    edge_index = jax.random.randint(ks[1], (2, E), 0, N, dtype=jnp.int32)
    W1 = jax.random.normal(ks[2], (D_IN, D_H), dtype=jnp.float32) * (1.0 / np.sqrt(D_IN))
    b1 = jnp.zeros((D_H,), dtype=jnp.float32)
    W2 = jax.random.normal(ks[3], (D_H, D_OUT), dtype=jnp.float32) * (1.0 / np.sqrt(D_H))
    b2 = jnp.zeros((D_OUT,), dtype=jnp.float32)
    Wc = jax.random.normal(ks[4], (D_OUT, D_OUT), dtype=jnp.float32) * (1.0 / np.sqrt(D_OUT))
    bc = jnp.zeros((D_OUT,), dtype=jnp.float32)
    return {"x": x, "edge_index": edge_index, "W1": W1, "b1": b1, "W2": W2, "b2": b2, "Wc": Wc, "bc": bc}


def _gcn_conv(x, src, dst, W, b, num_nodes):
    # GCNConv with add_self_loops=True and symmetric normalization:
    # out = D^{-1/2} (A + I) D^{-1/2} X W + b
    loop = jnp.arange(num_nodes, dtype=src.dtype)
    src_sl = jnp.concatenate([src, loop])
    dst_sl = jnp.concatenate([dst, loop])
    xw = x @ W
    deg = jnp.zeros((num_nodes,), dtype=x.dtype).at[dst_sl].add(1.0)
    deg_inv_sqrt = jnp.where(deg > 0, jax.lax.rsqrt(jnp.maximum(deg, 1e-12)), 0.0)
    norm = deg_inv_sqrt[src_sl] * deg_inv_sqrt[dst_sl]
    msg = xw[src_sl] * norm[:, None]
    out = jnp.zeros((num_nodes, W.shape[1]), dtype=x.dtype).at[dst_sl].add(msg)
    return out + b


def reference(x, edge_index, W1, b1, W2, b2, Wc, bc):
    src = edge_index[0]
    dst = edge_index[1]
    h1 = _gcn_conv(x, src, dst, W1, b1, N)
    h1 = jax.nn.relu(h1)
    # F.dropout with training=False (eval mode) is identity
    h2 = _gcn_conv(h1, src, dst, W2, b2, N)
    out = h2 @ Wc + bc
    return (out, h2)

if __name__ == "__main__":
    import jax
    _d = setup_inputs()
    print(jax.jit(kernel)(*tuple(_d.values())))

</pallas_src>

<mosaic_0001>
#map = affine_map<(d0, d1) -> (0, 0, 0)>
#map1 = affine_map<(d0, d1) -> (0, 0)>
module attributes {stable_mosaic.version = 14 : i64} {
  func.func @edge_sum(%arg0: i32, %arg1: i32, %arg2: memref<32x125x80xi32, #tpu.memory_space<hbm>>, %arg3: memref<32x125x80xi32, #tpu.memory_space<hbm>>, %arg4: memref<10000x128xf32, #tpu.memory_space<hbm>>, %arg5: memref<10240x128xf32, #tpu.memory_space<hbm>>, %arg6: memref<2x10240x128xf32, #tpu.memory_space<hbm>>, %arg7: memref<125x80xi32, #tpu.memory_space<vmem>>, %arg8: memref<125x80xi32, #tpu.memory_space<vmem>>, %arg9: memref<80x128xf32, #tpu.memory_space<vmem>>, %arg10: memref<10240x128xf32, #tpu.memory_space<vmem_shared>>, %arg11: memref<!tpu.dma_semaphore, #tpu.memory_space<semaphore_mem>>) attributes {dimension_semantics = [#tpu.dimension_semantics<core_parallel>, #tpu.dimension_semantics<subcore_parallel>], iteration_bounds = array<i64: 2, 16>, scalar_prefetch = 0 : i64, scratch_operands = 5 : i64, tpu.core_type = #tpu.core_type<sc_vector_subcore>, window_params = [{transform_indices = #map}, {transform_indices = #map}, {transform_indices = #map1}, {transform_indices = #map1}, {transform_indices = #map}]} {
    %mul3A = arith.constant 16 : i32
    %mul3A_0 = arith.muli %arg0, %mul3A : i32
    %add3A = arith.addi %mul3A_0, %arg1 : i32
    %mul3A_1 = arith.constant 640 : i32
    %mul3A_2 = arith.muli %arg1, %mul3A_1 : i32
    "tpu.region"() ({
      %run_scoped3A = tpu.sem_alloc : memref<!tpu.dma_semaphore, #tpu.memory_space<semaphore_mem>>
      %dma_start3A = arith.constant 0 : i32
      %dma_start3A_9 = tpu.memref_slice %arg10[%mul3A_2, %dma_start3A] : memref<10240x128xf32, #tpu.memory_space<vmem_shared>> -> memref<640x128xf32, #tpu.memory_space<vmem_shared>>
      %dma_start3A_10 = arith.constant 0 : i32
      %dma_start3A_11 = tpu.memref_slice %arg5[%mul3A_2, %dma_start3A_10] : memref<10240x128xf32, #tpu.memory_space<hbm>> -> memref<640x128xf32, #tpu.memory_space<hbm>>
      tpu.enqueue_dma source(%dma_start3A_11 : memref<640x128xf32, #tpu.memory_space<hbm>>) target(%dma_start3A_9 : memref<640x128xf32, #tpu.memory_space<vmem_shared>>) target_semaphore(%run_scoped3A : memref<!tpu.dma_semaphore, #tpu.memory_space<semaphore_mem>>)
      %dma_wait3A = arith.constant 0 : i32
      %dma_wait3A_12 = tpu.memref_slice %arg10[%mul3A_2, %dma_wait3A] : memref<10240x128xf32, #tpu.memory_space<vmem_shared>> -> memref<640x128xf32, #tpu.memory_space<vmem_shared>>
      %dma_wait3A_13 = arith.constant 0 : i32
      %dma_wait3A_14 = tpu.memref_slice %arg5[%mul3A_2, %dma_wait3A_13] : memref<10240x128xf32, #tpu.memory_space<hbm>> -> memref<640x128xf32, #tpu.memory_space<hbm>>
      tpu.wait_dma2 semaphore(%run_scoped3A : memref<!tpu.dma_semaphore, #tpu.memory_space<semaphore_mem>>) src(%dma_wait3A_14 : memref<640x128xf32, #tpu.memory_space<hbm>>) dst(%dma_wait3A_12 : memref<640x128xf32, #tpu.memory_space<vmem_shared>>)
      tpu.yield
    }) : () -> ()
    "tpu.region"() ({
      %run_scoped3A = tpu.sem_alloc : memref<!tpu.dma_semaphore, #tpu.memory_space<semaphore_mem>>
      %dma_start3A = arith.constant 0 : i32
      %dma_start3A_9 = arith.constant 0 : i32
      %dma_start3A_10 = tpu.memref_slice %arg2[%add3A, %dma_start3A, %dma_start3A_9] : memref<32x125x80xi32, #tpu.memory_space<hbm>> -> memref<1x125x80xi32, #tpu.memory_space<hbm>>
      %dma_start3A_11 = tpu.memref_squeeze %dma_start3A_10 : memref<1x125x80xi32, #tpu.memory_space<hbm>> -> memref<125x80xi32, #tpu.memory_space<hbm>>
      %dma_start3A_12 = arith.constant 0 : i32
      %dma_start3A_13 = arith.constant 0 : i32
      %dma_start3A_14 = tpu.memref_slice %arg2[%add3A, %dma_start3A_12, %dma_start3A_13] : memref<32x125x80xi32, #tpu.memory_space<hbm>> -> memref<1x125x80xi32, #tpu.memory_space<hbm>>
      %dma_start3A_15 = tpu.memref_squeeze %dma_start3A_14 : memref<1x125x80xi32, #tpu.memory_space<hbm>> -> memref<125x80xi32, #tpu.memory_space<hbm>>
      tpu.enqueue_dma source(%dma_start3A_15 : memref<125x80xi32, #tpu.memory_space<hbm>>) target(%arg7 : memref<125x80xi32, #tpu.memory_space<vmem>>) target_semaphore(%run_scoped3A : memref<!tpu.dma_semaphore, #tpu.memory_space<semaphore_mem>>)
      %dma_wait3A = arith.constant 0 : i32
      %dma_wait3A_16 = arith.constant 0 : i32
      %dma_wait3A_17 = tpu.memref_slice %arg2[%add3A, %dma_wait3A, %dma_wait3A_16] : memref<32x125x80xi32, #tpu.memory_space<hbm>> -> memref<1x125x80xi32, #tpu.memory_space<hbm>>
      %dma_wait3A_18 = tpu.memref_squeeze %dma_wait3A_17 : memref<1x125x80xi32, #tpu.memory_space<hbm>> -> memref<125x80xi32, #tpu.memory_space<hbm>>
      %dma_wait3A_19 = arith.constant 0 : i32
      %dma_wait3A_20 = arith.constant 0 : i32
      %dma_wait3A_21 = tpu.memref_slice %arg2[%add3A, %dma_wait3A_19, %dma_wait3A_20] : memref<32x125x80xi32, #tpu.memory_space<hbm>> -> memref<1x125x80xi32, #tpu.memory_space<hbm>>
      %dma_wait3A_22 = tpu.memref_squeeze %dma_wait3A_21 : memref<1x125x80xi32, #tpu.memory_space<hbm>> -> memref<125x80xi32, #tpu.memory_space<hbm>>
      tpu.wait_dma2 semaphore(%run_scoped3A : memref<!tpu.dma_semaphore, #tpu.memory_space<semaphore_mem>>) src(%dma_wait3A_22 : memref<125x80xi32, #tpu.memory_space<hbm>>) dst(%arg7 : memref<125x80xi32, #tpu.memory_space<vmem>>)
      tpu.yield
    }) : () -> ()
    "tpu.region"() ({
      %run_scoped3A = tpu.sem_alloc : memref<!tpu.dma_semaphore, #tpu.memory_space<semaphore_mem>>
      %dma_start3A = arith.constant 0 : i32
      %dma_start3A_9 = arith.constant 0 : i32
      %dma_start3A_10 = tpu.memref_slice %arg3[%add3A, %dma_start3A, %dma_start3A_9] : memref<32x125x80xi32, #tpu.memory_space<hbm>> -> memref<1x125x80xi32, #tpu.memory_space<hbm>>
      %dma_start3A_11 = tpu.memref_squeeze %dma_start3A_10 : memref<1x125x80xi32, #tpu.memory_space<hbm>> -> memref<125x80xi32, #tpu.memory_space<hbm>>
      %dma_start3A_12 = arith.constant 0 : i32
      %dma_start3A_13 = arith.constant 0 : i32
      %dma_start3A_14 = tpu.memref_slice %arg3[%add3A, %dma_start3A_12, %dma_start3A_13] : memref<32x125x80xi32, #tpu.memory_space<hbm>> -> memref<1x125x80xi32, #tpu.memory_space<hbm>>
      %dma_start3A_15 = tpu.memref_squeeze %dma_start3A_14 : memref<1x125x80xi32, #tpu.memory_space<hbm>> -> memref<125x80xi32, #tpu.memory_space<hbm>>
      tpu.enqueue_dma source(%dma_start3A_15 : memref<125x80xi32, #tpu.memory_space<hbm>>) target(%arg8 : memref<125x80xi32, #tpu.memory_space<vmem>>) target_semaphore(%run_scoped3A : memref<!tpu.dma_semaphore, #tpu.memory_space<semaphore_mem>>)
      %dma_wait3A = arith.constant 0 : i32
      %dma_wait3A_16 = arith.constant 0 : i32
      %dma_wait3A_17 = tpu.memref_slice %arg3[%add3A, %dma_wait3A, %dma_wait3A_16] : memref<32x125x80xi32, #tpu.memory_space<hbm>> -> memref<1x125x80xi32, #tpu.memory_space<hbm>>
      %dma_wait3A_18 = tpu.memref_squeeze %dma_wait3A_17 : memref<1x125x80xi32, #tpu.memory_space<hbm>> -> memref<125x80xi32, #tpu.memory_space<hbm>>
      %dma_wait3A_19 = arith.constant 0 : i32
      %dma_wait3A_20 = arith.constant 0 : i32
      %dma_wait3A_21 = tpu.memref_slice %arg3[%add3A, %dma_wait3A_19, %dma_wait3A_20] : memref<32x125x80xi32, #tpu.memory_space<hbm>> -> memref<1x125x80xi32, #tpu.memory_space<hbm>>
      %dma_wait3A_22 = tpu.memref_squeeze %dma_wait3A_21 : memref<1x125x80xi32, #tpu.memory_space<hbm>> -> memref<125x80xi32, #tpu.memory_space<hbm>>
      tpu.wait_dma2 semaphore(%run_scoped3A : memref<!tpu.dma_semaphore, #tpu.memory_space<semaphore_mem>>) src(%dma_wait3A_22 : memref<125x80xi32, #tpu.memory_space<hbm>>) dst(%arg8 : memref<125x80xi32, #tpu.memory_space<vmem>>)
      tpu.yield
    }) : () -> ()
    %barrier3A = arith.constant 0 : index
    tpu.barrier barrier_id(%barrier3A)
    %scan3A = arith.constant 0 : i32
    %scan3A_3 = arith.constant 0 : i32
    %scan3A_4 = arith.constant 125 : i32
    %scan3A_5 = arith.addi %scan3A_3, %scan3A_4 : i32
    %scan3A_6 = arith.constant 1 : i32
    scf.for %scan3A_9 = %scan3A_3 to %scan3A_5 step %scan3A_6  : i32 {
      %dma_start3A = arith.constant 0 : i32
      %dma_start3A_10 = tpu.memref_slice %arg7[%scan3A_9, %dma_start3A] : memref<125x80xi32, #tpu.memory_space<vmem>> -> memref<1x80xi32, #tpu.memory_space<vmem>>
      %dma_start3A_11 = tpu.memref_squeeze %dma_start3A_10 : memref<1x80xi32, #tpu.memory_space<vmem>> -> memref<80xi32, #tpu.memory_space<vmem>>
      %dma_start3A_12 = arith.constant 0 : i32
      %dma_start3A_13 = arith.constant 0 : i32
      %dma_start3A_14 = tpu.memref_slice %arg4[%dma_start3A_12, %dma_start3A_13] : memref<10000x128xf32, #tpu.memory_space<hbm>> -> memref<10000x128xf32, #tpu.memory_space<hbm>>
      tpu.enqueue_indirect_dma source(%dma_start3A_14 : memref<10000x128xf32, #tpu.memory_space<hbm>>) target(%arg9 : memref<80x128xf32, #tpu.memory_space<vmem>>) offsets(%dma_start3A_11 : memref<80xi32, #tpu.memory_space<vmem>>) semaphore(%arg11 : memref<!tpu.dma_semaphore, #tpu.memory_space<semaphore_mem>>)
      %dma_wait3A = arith.constant 0 : i32
      %dma_wait3A_15 = tpu.memref_slice %arg7[%scan3A_9, %dma_wait3A] : memref<125x80xi32, #tpu.memory_space<vmem>> -> memref<1x80xi32, #tpu.memory_space<vmem>>
      %dma_wait3A_16 = tpu.memref_squeeze %dma_wait3A_15 : memref<1x80xi32, #tpu.memory_space<vmem>> -> memref<80xi32, #tpu.memory_space<vmem>>
      %dma_wait3A_17 = arith.constant 0 : i32
      %dma_wait3A_18 = arith.constant 0 : i32
      %dma_wait3A_19 = tpu.memref_slice %arg4[%dma_wait3A_17, %dma_wait3A_18] : memref<10000x128xf32, #tpu.memory_space<hbm>> -> memref<10000x128xf32, #tpu.memory_space<hbm>>
      tpu.wait_indirect_dma semaphore(%arg11 : memref<!tpu.dma_semaphore, #tpu.memory_space<semaphore_mem>>) src(%dma_wait3A_19 : memref<10000x128xf32, #tpu.memory_space<hbm>>) dst(%arg9 : memref<80x128xf32, #tpu.memory_space<vmem>>)
      "tpu.region"() ({
        %run_scoped3A = tpu.sem_alloc : memref<!tpu.dma_semaphore, #tpu.memory_space<semaphore_mem>>
        %dma_start3A_20 = arith.constant 0 : i32
        %dma_start3A_21 = tpu.memref_slice %arg8[%scan3A_9, %dma_start3A_20] : memref<125x80xi32, #tpu.memory_space<vmem>> -> memref<1x80xi32, #tpu.memory_space<vmem>>
        %dma_start3A_22 = tpu.memref_squeeze %dma_start3A_21 : memref<1x80xi32, #tpu.memory_space<vmem>> -> memref<80xi32, #tpu.memory_space<vmem>>
        %dma_start3A_23 = arith.constant 0 : i32
        %dma_start3A_24 = arith.constant 0 : i32
        %dma_start3A_25 = tpu.memref_slice %arg10[%dma_start3A_23, %dma_start3A_24] : memref<10240x128xf32, #tpu.memory_space<vmem_shared>> -> memref<10240x128xf32, #tpu.memory_space<vmem_shared>>
        tpu.enqueue_indirect_dma source(%arg9 : memref<80x128xf32, #tpu.memory_space<vmem>>) target(%dma_start3A_25 : memref<10240x128xf32, #tpu.memory_space<vmem_shared>>) offsets(%dma_start3A_22 : memref<80xi32, #tpu.memory_space<vmem>>) semaphore(%run_scoped3A : memref<!tpu.dma_semaphore, #tpu.memory_space<semaphore_mem>>) {add = true}
        %dma_wait3A_26 = arith.constant 0 : i32
        %dma_wait3A_27 = tpu.memref_slice %arg8[%scan3A_9, %dma_wait3A_26] : memref<125x80xi32, #tpu.memory_space<vmem>> -> memref<1x80xi32, #tpu.memory_space<vmem>>
        %dma_wait3A_28 = tpu.memref_squeeze %dma_wait3A_27 : memref<1x80xi32, #tpu.memory_space<vmem>> -> memref<80xi32, #tpu.memory_space<vmem>>
        %dma_wait3A_29 = arith.constant 0 : i32
        %dma_wait3A_30 = arith.constant 0 : i32
        %dma_wait3A_31 = tpu.memref_slice %arg10[%dma_wait3A_29, %dma_wait3A_30] : memref<10240x128xf32, #tpu.memory_space<vmem_shared>> -> memref<10240x128xf32, #tpu.memory_space<vmem_shared>>
        tpu.wait_indirect_dma semaphore(%run_scoped3A : memref<!tpu.dma_semaphore, #tpu.memory_space<semaphore_mem>>) src(%arg9 : memref<80x128xf32, #tpu.memory_space<vmem>>) dst(%dma_wait3A_31 : memref<10240x128xf32, #tpu.memory_space<vmem_shared>>)
        tpu.yield
      }) : () -> ()
    }
    %scan3A_7 = arith.constant 125 : i32
    %barrier3A_8 = arith.constant 0 : index
    tpu.barrier barrier_id(%barrier3A_8)
    "tpu.region"() ({
      %run_scoped3A = tpu.sem_alloc : memref<!tpu.dma_semaphore, #tpu.memory_space<semaphore_mem>>
      %dma_start3A = arith.constant 0 : i32
      %dma_start3A_9 = tpu.memref_slice %arg6[%arg0, %mul3A_2, %dma_start3A] : memref<2x10240x128xf32, #tpu.memory_space<hbm>> -> memref<1x640x128xf32, #tpu.memory_space<hbm>>
      %dma_start3A_10 = tpu.memref_squeeze %dma_start3A_9 : memref<1x640x128xf32, #tpu.memory_space<hbm>> -> memref<640x128xf32, #tpu.memory_space<hbm>>
      %dma_start3A_11 = arith.constant 0 : i32
      %dma_start3A_12 = tpu.memref_slice %arg10[%mul3A_2, %dma_start3A_11] : memref<10240x128xf32, #tpu.memory_space<vmem_shared>> -> memref<640x128xf32, #tpu.memory_space<vmem_shared>>
      tpu.enqueue_dma source(%dma_start3A_12 : memref<640x128xf32, #tpu.memory_space<vmem_shared>>) target(%dma_start3A_10 : memref<640x128xf32, #tpu.memory_space<hbm>>) target_semaphore(%run_scoped3A : memref<!tpu.dma_semaphore, #tpu.memory_space<semaphore_mem>>)
      %dma_wait3A = arith.constant 0 : i32
      %dma_wait3A_13 = tpu.memref_slice %arg6[%arg0, %mul3A_2, %dma_wait3A] : memref<2x10240x128xf32, #tpu.memory_space<hbm>> -> memref<1x640x128xf32, #tpu.memory_space<hbm>>
      %dma_wait3A_14 = tpu.memref_squeeze %dma_wait3A_13 : memref<1x640x128xf32, #tpu.memory_space<hbm>> -> memref<640x128xf32, #tpu.memory_space<hbm>>
      %dma_wait3A_15 = arith.constant 0 : i32
      %dma_wait3A_16 = tpu.memref_slice %arg10[%mul3A_2, %dma_wait3A_15] : memref<10240x128xf32, #tpu.memory_space<vmem_shared>> -> memref<640x128xf32, #tpu.memory_space<vmem_shared>>
      tpu.wait_dma2 semaphore(%run_scoped3A : memref<!tpu.dma_semaphore, #tpu.memory_space<semaphore_mem>>) src(%dma_wait3A_16 : memref<640x128xf32, #tpu.memory_space<vmem_shared>>) dst(%dma_wait3A_14 : memref<640x128xf32, #tpu.memory_space<hbm>>)
      tpu.yield
    }) : () -> ()
    return
  }
}

#map = affine_map<(d0, d1) -> (0, 0, 0)>
#map1 = affine_map<(d0, d1) -> (0, 0)>
module attributes {stable_mosaic.version = 14 : i64} {
  func.func @_degree(%arg0: i32, %arg1: i32, %arg2: memref<32x125x80xi32, #tpu.memory_space<hbm>>, %arg3: memref<10240x8xf32, #tpu.memory_space<hbm>>, %arg4: memref<80x8xf32, #tpu.memory_space<hbm>>, %arg5: memref<2x10240x8xf32, #tpu.memory_space<hbm>>, %arg6: memref<125x80xi32, #tpu.memory_space<vmem>>, %arg7: memref<80x8xf32, #tpu.memory_space<vmem>>, %arg8: memref<10240x8xf32, #tpu.memory_space<vmem_shared>>) attributes {dimension_semantics = [#tpu.dimension_semantics<core_parallel>, #tpu.dimension_semantics<subcore_parallel>], iteration_bounds = array<i64: 2, 16>, scalar_prefetch = 0 : i64, scratch_operands = 3 : i64, tpu.core_type = #tpu.core_type<sc_vector_subcore>, window_params = [{transform_indices = #map}, {transform_indices = #map1}, {transform_indices = #map1}, {transform_indices = #map}]} {
    %mul3A = arith.constant 16 : i32
    %mul3A_0 = arith.muli %arg0, %mul3A : i32
    %add3A = arith.addi %mul3A_0, %arg1 : i32
    %mul3A_1 = arith.constant 640 : i32
    %mul3A_2 = arith.muli %arg1, %mul3A_1 : i32
    "tpu.region"() ({
      %run_scoped3A = tpu.sem_alloc : memref<!tpu.dma_semaphore, #tpu.memory_space<semaphore_mem>>
      %dma_start3A = arith.constant 0 : i32
      %dma_start3A_9 = tpu.memref_slice %arg8[%mul3A_2, %dma_start3A] : memref<10240x8xf32, #tpu.memory_space<vmem_shared>> -> memref<640x8xf32, #tpu.memory_space<vmem_shared>>
      %dma_start3A_10 = arith.constant 0 : i32
      %dma_start3A_11 = tpu.memref_slice %arg3[%mul3A_2, %dma_start3A_10] : memref<10240x8xf32, #tpu.memory_space<hbm>> -> memref<640x8xf32, #tpu.memory_space<hbm>>
      tpu.enqueue_dma source(%dma_start3A_11 : memref<640x8xf32, #tpu.memory_space<hbm>>) target(%dma_start3A_9 : memref<640x8xf32, #tpu.memory_space<vmem_shared>>) target_semaphore(%run_scoped3A : memref<!tpu.dma_semaphore, #tpu.memory_space<semaphore_mem>>)
      %dma_wait3A = arith.constant 0 : i32
      %dma_wait3A_12 = tpu.memref_slice %arg8[%mul3A_2, %dma_wait3A] : memref<10240x8xf32, #tpu.memory_space<vmem_shared>> -> memref<640x8xf32, #tpu.memory_space<vmem_shared>>
      %dma_wait3A_13 = arith.constant 0 : i32
      %dma_wait3A_14 = tpu.memref_slice %arg3[%mul3A_2, %dma_wait3A_13] : memref<10240x8xf32, #tpu.memory_space<hbm>> -> memref<640x8xf32, #tpu.memory_space<hbm>>
      tpu.wait_dma2 semaphore(%run_scoped3A : memref<!tpu.dma_semaphore, #tpu.memory_space<semaphore_mem>>) src(%dma_wait3A_14 : memref<640x8xf32, #tpu.memory_space<hbm>>) dst(%dma_wait3A_12 : memref<640x8xf32, #tpu.memory_space<vmem_shared>>)
      tpu.yield
    }) : () -> ()
    "tpu.region"() ({
      %run_scoped3A = tpu.sem_alloc : memref<!tpu.dma_semaphore, #tpu.memory_space<semaphore_mem>>
      %dma_start3A = arith.constant 0 : i32
      %dma_start3A_9 = arith.constant 0 : i32
      %dma_start3A_10 = tpu.memref_slice %arg2[%add3A, %dma_start3A, %dma_start3A_9] : memref<32x125x80xi32, #tpu.memory_space<hbm>> -> memref<1x125x80xi32, #tpu.memory_space<hbm>>
      %dma_start3A_11 = tpu.memref_squeeze %dma_start3A_10 : memref<1x125x80xi32, #tpu.memory_space<hbm>> -> memref<125x80xi32, #tpu.memory_space<hbm>>
      %dma_start3A_12 = arith.constant 0 : i32
      %dma_start3A_13 = arith.constant 0 : i32
      %dma_start3A_14 = tpu.memref_slice %arg2[%add3A, %dma_start3A_12, %dma_start3A_13] : memref<32x125x80xi32, #tpu.memory_space<hbm>> -> memref<1x125x80xi32, #tpu.memory_space<hbm>>
      %dma_start3A_15 = tpu.memref_squeeze %dma_start3A_14 : memref<1x125x80xi32, #tpu.memory_space<hbm>> -> memref<125x80xi32, #tpu.memory_space<hbm>>
      tpu.enqueue_dma source(%dma_start3A_15 : memref<125x80xi32, #tpu.memory_space<hbm>>) target(%arg6 : memref<125x80xi32, #tpu.memory_space<vmem>>) target_semaphore(%run_scoped3A : memref<!tpu.dma_semaphore, #tpu.memory_space<semaphore_mem>>)
      %dma_wait3A = arith.constant 0 : i32
      %dma_wait3A_16 = arith.constant 0 : i32
      %dma_wait3A_17 = tpu.memref_slice %arg2[%add3A, %dma_wait3A, %dma_wait3A_16] : memref<32x125x80xi32, #tpu.memory_space<hbm>> -> memref<1x125x80xi32, #tpu.memory_space<hbm>>
      %dma_wait3A_18 = tpu.memref_squeeze %dma_wait3A_17 : memref<1x125x80xi32, #tpu.memory_space<hbm>> -> memref<125x80xi32, #tpu.memory_space<hbm>>
      %dma_wait3A_19 = arith.constant 0 : i32
      %dma_wait3A_20 = arith.constant 0 : i32
      %dma_wait3A_21 = tpu.memref_slice %arg2[%add3A, %dma_wait3A_19, %dma_wait3A_20] : memref<32x125x80xi32, #tpu.memory_space<hbm>> -> memref<1x125x80xi32, #tpu.memory_space<hbm>>
      %dma_wait3A_22 = tpu.memref_squeeze %dma_wait3A_21 : memref<1x125x80xi32, #tpu.memory_space<hbm>> -> memref<125x80xi32, #tpu.memory_space<hbm>>
      tpu.wait_dma2 semaphore(%run_scoped3A : memref<!tpu.dma_semaphore, #tpu.memory_space<semaphore_mem>>) src(%dma_wait3A_22 : memref<125x80xi32, #tpu.memory_space<hbm>>) dst(%arg6 : memref<125x80xi32, #tpu.memory_space<vmem>>)
      tpu.yield
    }) : () -> ()
    "tpu.region"() ({
      %run_scoped3A = tpu.sem_alloc : memref<!tpu.dma_semaphore, #tpu.memory_space<semaphore_mem>>
      tpu.enqueue_dma source(%arg4 : memref<80x8xf32, #tpu.memory_space<hbm>>) target(%arg7 : memref<80x8xf32, #tpu.memory_space<vmem>>) target_semaphore(%run_scoped3A : memref<!tpu.dma_semaphore, #tpu.memory_space<semaphore_mem>>)
      tpu.wait_dma2 semaphore(%run_scoped3A : memref<!tpu.dma_semaphore, #tpu.memory_space<semaphore_mem>>) src(%arg4 : memref<80x8xf32, #tpu.memory_space<hbm>>) dst(%arg7 : memref<80x8xf32, #tpu.memory_space<vmem>>)
      tpu.yield
    }) : () -> ()
    %barrier3A = arith.constant 0 : index
    tpu.barrier barrier_id(%barrier3A)
    %scan3A = arith.constant 0 : i32
    %scan3A_3 = arith.constant 0 : i32
    %scan3A_4 = arith.constant 125 : i32
    %scan3A_5 = arith.addi %scan3A_3, %scan3A_4 : i32
    %scan3A_6 = arith.constant 1 : i32
    scf.for %scan3A_9 = %scan3A_3 to %scan3A_5 step %scan3A_6  : i32 {
      "tpu.region"() ({
        %run_scoped3A = tpu.sem_alloc : memref<!tpu.dma_semaphore, #tpu.memory_space<semaphore_mem>>
        %dma_start3A = arith.constant 0 : i32
        %dma_start3A_10 = tpu.memref_slice %arg6[%scan3A_9, %dma_start3A] : memref<125x80xi32, #tpu.memory_space<vmem>> -> memref<1x80xi32, #tpu.memory_space<vmem>>
        %dma_start3A_11 = tpu.memref_squeeze %dma_start3A_10 : memref<1x80xi32, #tpu.memory_space<vmem>> -> memref<80xi32, #tpu.memory_space<vmem>>
        %dma_start3A_12 = arith.constant 0 : i32
        %dma_start3A_13 = arith.constant 0 : i32
        %dma_start3A_14 = tpu.memref_slice %arg8[%dma_start3A_12, %dma_start3A_13] : memref<10240x8xf32, #tpu.memory_space<vmem_shared>> -> memref<10240x8xf32, #tpu.memory_space<vmem_shared>>
        tpu.enqueue_indirect_dma source(%arg7 : memref<80x8xf32, #tpu.memory_space<vmem>>) target(%dma_start3A_14 : memref<10240x8xf32, #tpu.memory_space<vmem_shared>>) offsets(%dma_start3A_11 : memref<80xi32, #tpu.memory_space<vmem>>) semaphore(%run_scoped3A : memref<!tpu.dma_semaphore, #tpu.memory_space<semaphore_mem>>) {add = true}
        %dma_wait3A = arith.constant 0 : i32
        %dma_wait3A_15 = tpu.memref_slice %arg6[%scan3A_9, %dma_wait3A] : memref<125x80xi32, #tpu.memory_space<vmem>> -> memref<1x80xi32, #tpu.memory_space<vmem>>
        %dma_wait3A_16 = tpu.memref_squeeze %dma_wait3A_15 : memref<1x80xi32, #tpu.memory_space<vmem>> -> memref<80xi32, #tpu.memory_space<vmem>>
        %dma_wait3A_17 = arith.constant 0 : i32
        %dma_wait3A_18 = arith.constant 0 : i32
        %dma_wait3A_19 = tpu.memref_slice %arg8[%dma_wait3A_17, %dma_wait3A_18] : memref<10240x8xf32, #tpu.memory_space<vmem_shared>> -> memref<10240x8xf32, #tpu.memory_space<vmem_shared>>
        tpu.wait_indirect_dma semaphore(%run_scoped3A : memref<!tpu.dma_semaphore, #tpu.memory_space<semaphore_mem>>) src(%arg7 : memref<80x8xf32, #tpu.memory_space<vmem>>) dst(%dma_wait3A_19 : memref<10240x8xf32, #tpu.memory_space<vmem_shared>>)
        tpu.yield
      }) : () -> ()
    }
    %scan3A_7 = arith.constant 125 : i32
    %barrier3A_8 = arith.constant 0 : index
    tpu.barrier barrier_id(%barrier3A_8)
    "tpu.region"() ({
      %run_scoped3A = tpu.sem_alloc : memref<!tpu.dma_semaphore, #tpu.memory_space<semaphore_mem>>
      %dma_start3A = arith.constant 0 : i32
      %dma_start3A_9 = tpu.memref_slice %arg5[%arg0, %mul3A_2, %dma_start3A] : memref<2x10240x8xf32, #tpu.memory_space<hbm>> -> memref<1x640x8xf32, #tpu.memory_space<hbm>>
      %dma_start3A_10 = tpu.memref_squeeze %dma_start3A_9 : memref<1x640x8xf32, #tpu.memory_space<hbm>> -> memref<640x8xf32, #tpu.memory_space<hbm>>
      %dma_start3A_11 = arith.constant 0 : i32
      %dma_start3A_12 = tpu.memref_slice %arg8[%mul3A_2, %dma_start3A_11] : memref<10240x8xf32, #tpu.memory_space<vmem_shared>> -> memref<640x8xf32, #tpu.memory_space<vmem_shared>>
      tpu.enqueue_dma source(%dma_start3A_12 : memref<640x8xf32, #tpu.memory_space<vmem_shared>>) target(%dma_start3A_10 : memref<640x8xf32, #tpu.memory_space<hbm>>) target_semaphore(%run_scoped3A : memref<!tpu.dma_semaphore, #tpu.memory_space<semaphore_mem>>)
      %dma_wait3A = arith.constant 0 : i32
      %dma_wait3A_13 = tpu.memref_slice %arg5[%arg0, %mul3A_2, %dma_wait3A] : memref<2x10240x8xf32, #tpu.memory_space<hbm>> -> memref<1x640x8xf32, #tpu.memory_space<hbm>>
      %dma_wait3A_14 = tpu.memref_squeeze %dma_wait3A_13 : memref<1x640x8xf32, #tpu.memory_space<hbm>> -> memref<640x8xf32, #tpu.memory_space<hbm>>
      %dma_wait3A_15 = arith.constant 0 : i32
      %dma_wait3A_16 = tpu.memref_slice %arg8[%mul3A_2, %dma_wait3A_15] : memref<10240x8xf32, #tpu.memory_space<vmem_shared>> -> memref<640x8xf32, #tpu.memory_space<vmem_shared>>
      tpu.wait_dma2 semaphore(%run_scoped3A : memref<!tpu.dma_semaphore, #tpu.memory_space<semaphore_mem>>) src(%dma_wait3A_16 : memref<640x8xf32, #tpu.memory_space<vmem_shared>>) dst(%dma_wait3A_14 : memref<640x8xf32, #tpu.memory_space<hbm>>)
      tpu.yield
    }) : () -> ()
    return
  }
}

#map = affine_map<(d0, d1) -> (0, 0, 0)>
#map1 = affine_map<(d0, d1) -> (0, 0)>
module attributes {stable_mosaic.version = 14 : i64} {
  func.func @edge_sum(%arg0: i32, %arg1: i32, %arg2: memref<32x125x80xi32, #tpu.memory_space<hbm>>, %arg3: memref<32x125x80xi32, #tpu.memory_space<hbm>>, %arg4: memref<10000x64xf32, #tpu.memory_space<hbm>>, %arg5: memref<10240x64xf32, #tpu.memory_space<hbm>>, %arg6: memref<2x10240x64xf32, #tpu.memory_space<hbm>>, %arg7: memref<125x80xi32, #tpu.memory_space<vmem>>, %arg8: memref<125x80xi32, #tpu.memory_space<vmem>>, %arg9: memref<80x64xf32, #tpu.memory_space<vmem>>, %arg10: memref<10240x64xf32, #tpu.memory_space<vmem_shared>>, %arg11: memref<!tpu.dma_semaphore, #tpu.memory_space<semaphore_mem>>) attributes {dimension_semantics = [#tpu.dimension_semantics<core_parallel>, #tpu.dimension_semantics<subcore_parallel>], iteration_bounds = array<i64: 2, 16>, scalar_prefetch = 0 : i64, scratch_operands = 5 : i64, tpu.core_type = #tpu.core_type<sc_vector_subcore>, window_params = [{transform_indices = #map}, {transform_indices = #map}, {transform_indices = #map1}, {transform_indices = #map1}, {transform_indices = #map}]} {
    %mul3A = arith.constant 16 : i32
    %mul3A_0 = arith.muli %arg0, %mul3A : i32
    %add3A = arith.addi %mul3A_0, %arg1 : i32
    %mul3A_1 = arith.constant 640 : i32
    %mul3A_2 = arith.muli %arg1, %mul3A_1 : i32
    "tpu.region"() ({
      %run_scoped3A = tpu.sem_alloc : memref<!tpu.dma_semaphore, #tpu.memory_space<semaphore_mem>>
      %dma_start3A = arith.constant 0 : i32
      %dma_start3A_9 = tpu.memref_slice %arg10[%mul3A_2, %dma_start3A] : memref<10240x64xf32, #tpu.memory_space<vmem_shared>> -> memref<640x64xf32, #tpu.memory_space<vmem_shared>>
      %dma_start3A_10 = arith.constant 0 : i32
      %dma_start3A_11 = tpu.memref_slice %arg5[%mul3A_2, %dma_start3A_10] : memref<10240x64xf32, #tpu.memory_space<hbm>> -> memref<640x64xf32, #tpu.memory_space<hbm>>
      tpu.enqueue_dma source(%dma_start3A_11 : memref<640x64xf32, #tpu.memory_space<hbm>>) target(%dma_start3A_9 : memref<640x64xf32, #tpu.memory_space<vmem_shared>>) target_semaphore(%run_scoped3A : memref<!tpu.dma_semaphore, #tpu.memory_space<semaphore_mem>>)
      %dma_wait3A = arith.constant 0 : i32
      %dma_wait3A_12 = tpu.memref_slice %arg10[%mul3A_2, %dma_wait3A] : memref<10240x64xf32, #tpu.memory_space<vmem_shared>> -> memref<640x64xf32, #tpu.memory_space<vmem_shared>>
      %dma_wait3A_13 = arith.constant 0 : i32
      %dma_wait3A_14 = tpu.memref_slice %arg5[%mul3A_2, %dma_wait3A_13] : memref<10240x64xf32, #tpu.memory_space<hbm>> -> memref<640x64xf32, #tpu.memory_space<hbm>>
      tpu.wait_dma2 semaphore(%run_scoped3A : memref<!tpu.dma_semaphore, #tpu.memory_space<semaphore_mem>>) src(%dma_wait3A_14 : memref<640x64xf32, #tpu.memory_space<hbm>>) dst(%dma_wait3A_12 : memref<640x64xf32, #tpu.memory_space<vmem_shared>>)
      tpu.yield
    }) : () -> ()
    "tpu.region"() ({
      %run_scoped3A = tpu.sem_alloc : memref<!tpu.dma_semaphore, #tpu.memory_space<semaphore_mem>>
      %dma_start3A = arith.constant 0 : i32
      %dma_start3A_9 = arith.constant 0 : i32
      %dma_start3A_10 = tpu.memref_slice %arg2[%add3A, %dma_start3A, %dma_start3A_9] : memref<32x125x80xi32, #tpu.memory_space<hbm>> -> memref<1x125x80xi32, #tpu.memory_space<hbm>>
      %dma_start3A_11 = tpu.memref_squeeze %dma_start3A_10 : memref<1x125x80xi32, #tpu.memory_space<hbm>> -> memref<125x80xi32, #tpu.memory_space<hbm>>
      %dma_start3A_12 = arith.constant 0 : i32
      %dma_start3A_13 = arith.constant 0 : i32
      %dma_start3A_14 = tpu.memref_slice %arg2[%add3A, %dma_start3A_12, %dma_start3A_13] : memref<32x125x80xi32, #tpu.memory_space<hbm>> -> memref<1x125x80xi32, #tpu.memory_space<hbm>>
      %dma_start3A_15 = tpu.memref_squeeze %dma_start3A_14 : memref<1x125x80xi32, #tpu.memory_space<hbm>> -> memref<125x80xi32, #tpu.memory_space<hbm>>
      tpu.enqueue_dma source(%dma_start3A_15 : memref<125x80xi32, #tpu.memory_space<hbm>>) target(%arg7 : memref<125x80xi32, #tpu.memory_space<vmem>>) target_semaphore(%run_scoped3A : memref<!tpu.dma_semaphore, #tpu.memory_space<semaphore_mem>>)
      %dma_wait3A = arith.constant 0 : i32
      %dma_wait3A_16 = arith.constant 0 : i32
      %dma_wait3A_17 = tpu.memref_slice %arg2[%add3A, %dma_wait3A, %dma_wait3A_16] : memref<32x125x80xi32, #tpu.memory_space<hbm>> -> memref<1x125x80xi32, #tpu.memory_space<hbm>>
      %dma_wait3A_18 = tpu.memref_squeeze %dma_wait3A_17 : memref<1x125x80xi32, #tpu.memory_space<hbm>> -> memref<125x80xi32, #tpu.memory_space<hbm>>
      %dma_wait3A_19 = arith.constant 0 : i32
      %dma_wait3A_20 = arith.constant 0 : i32
      %dma_wait3A_21 = tpu.memref_slice %arg2[%add3A, %dma_wait3A_19, %dma_wait3A_20] : memref<32x125x80xi32, #tpu.memory_space<hbm>> -> memref<1x125x80xi32, #tpu.memory_space<hbm>>
      %dma_wait3A_22 = tpu.memref_squeeze %dma_wait3A_21 : memref<1x125x80xi32, #tpu.memory_space<hbm>> -> memref<125x80xi32, #tpu.memory_space<hbm>>
      tpu.wait_dma2 semaphore(%run_scoped3A : memref<!tpu.dma_semaphore, #tpu.memory_space<semaphore_mem>>) src(%dma_wait3A_22 : memref<125x80xi32, #tpu.memory_space<hbm>>) dst(%arg7 : memref<125x80xi32, #tpu.memory_space<vmem>>)
      tpu.yield
    }) : () -> ()
    "tpu.region"() ({
      %run_scoped3A = tpu.sem_alloc : memref<!tpu.dma_semaphore, #tpu.memory_space<semaphore_mem>>
      %dma_start3A = arith.constant 0 : i32
      %dma_start3A_9 = arith.constant 0 : i32
      %dma_start3A_10 = tpu.memref_slice %arg3[%add3A, %dma_start3A, %dma_start3A_9] : memref<32x125x80xi32, #tpu.memory_space<hbm>> -> memref<1x125x80xi32, #tpu.memory_space<hbm>>
      %dma_start3A_11 = tpu.memref_squeeze %dma_start3A_10 : memref<1x125x80xi32, #tpu.memory_space<hbm>> -> memref<125x80xi32, #tpu.memory_space<hbm>>
      %dma_start3A_12 = arith.constant 0 : i32
      %dma_start3A_13 = arith.constant 0 : i32
      %dma_start3A_14 = tpu.memref_slice %arg3[%add3A, %dma_start3A_12, %dma_start3A_13] : memref<32x125x80xi32, #tpu.memory_space<hbm>> -> memref<1x125x80xi32, #tpu.memory_space<hbm>>
      %dma_start3A_15 = tpu.memref_squeeze %dma_start3A_14 : memref<1x125x80xi32, #tpu.memory_space<hbm>> -> memref<125x80xi32, #tpu.memory_space<hbm>>
      tpu.enqueue_dma source(%dma_start3A_15 : memref<125x80xi32, #tpu.memory_space<hbm>>) target(%arg8 : memref<125x80xi32, #tpu.memory_space<vmem>>) target_semaphore(%run_scoped3A : memref<!tpu.dma_semaphore, #tpu.memory_space<semaphore_mem>>)
      %dma_wait3A = arith.constant 0 : i32
      %dma_wait3A_16 = arith.constant 0 : i32
      %dma_wait3A_17 = tpu.memref_slice %arg3[%add3A, %dma_wait3A, %dma_wait3A_16] : memref<32x125x80xi32, #tpu.memory_space<hbm>> -> memref<1x125x80xi32, #tpu.memory_space<hbm>>
      %dma_wait3A_18 = tpu.memref_squeeze %dma_wait3A_17 : memref<1x125x80xi32, #tpu.memory_space<hbm>> -> memref<125x80xi32, #tpu.memory_space<hbm>>
      %dma_wait3A_19 = arith.constant 0 : i32
      %dma_wait3A_20 = arith.constant 0 : i32
      %dma_wait3A_21 = tpu.memref_slice %arg3[%add3A, %dma_wait3A_19, %dma_wait3A_20] : memref<32x125x80xi32, #tpu.memory_space<hbm>> -> memref<1x125x80xi32, #tpu.memory_space<hbm>>
      %dma_wait3A_22 = tpu.memref_squeeze %dma_wait3A_21 : memref<1x125x80xi32, #tpu.memory_space<hbm>> -> memref<125x80xi32, #tpu.memory_space<hbm>>
      tpu.wait_dma2 semaphore(%run_scoped3A : memref<!tpu.dma_semaphore, #tpu.memory_space<semaphore_mem>>) src(%dma_wait3A_22 : memref<125x80xi32, #tpu.memory_space<hbm>>) dst(%arg8 : memref<125x80xi32, #tpu.memory_space<vmem>>)
      tpu.yield
    }) : () -> ()
    %barrier3A = arith.constant 0 : index
    tpu.barrier barrier_id(%barrier3A)
    %scan3A = arith.constant 0 : i32
    %scan3A_3 = arith.constant 0 : i32
    %scan3A_4 = arith.constant 125 : i32
    %scan3A_5 = arith.addi %scan3A_3, %scan3A_4 : i32
    %scan3A_6 = arith.constant 1 : i32
    scf.for %scan3A_9 = %scan3A_3 to %scan3A_5 step %scan3A_6  : i32 {
      %dma_start3A = arith.constant 0 : i32
      %dma_start3A_10 = tpu.memref_slice %arg7[%scan3A_9, %dma_start3A] : memref<125x80xi32, #tpu.memory_space<vmem>> -> memref<1x80xi32, #tpu.memory_space<vmem>>
      %dma_start3A_11 = tpu.memref_squeeze %dma_start3A_10 : memref<1x80xi32, #tpu.memory_space<vmem>> -> memref<80xi32, #tpu.memory_space<vmem>>
      %dma_start3A_12 = arith.constant 0 : i32
      %dma_start3A_13 = arith.constant 0 : i32
      %dma_start3A_14 = tpu.memref_slice %arg4[%dma_start3A_12, %dma_start3A_13] : memref<10000x64xf32, #tpu.memory_space<hbm>> -> memref<10000x64xf32, #tpu.memory_space<hbm>>
      tpu.enqueue_indirect_dma source(%dma_start3A_14 : memref<10000x64xf32, #tpu.memory_space<hbm>>) target(%arg9 : memref<80x64xf32, #tpu.memory_space<vmem>>) offsets(%dma_start3A_11 : memref<80xi32, #tpu.memory_space<vmem>>) semaphore(%arg11 : memref<!tpu.dma_semaphore, #tpu.memory_space<semaphore_mem>>)
      %dma_wait3A = arith.constant 0 : i32
      %dma_wait3A_15 = tpu.memref_slice %arg7[%scan3A_9, %dma_wait3A] : memref<125x80xi32, #tpu.memory_space<vmem>> -> memref<1x80xi32, #tpu.memory_space<vmem>>
      %dma_wait3A_16 = tpu.memref_squeeze %dma_wait3A_15 : memref<1x80xi32, #tpu.memory_space<vmem>> -> memref<80xi32, #tpu.memory_space<vmem>>
      %dma_wait3A_17 = arith.constant 0 : i32
      %dma_wait3A_18 = arith.constant 0 : i32
      %dma_wait3A_19 = tpu.memref_slice %arg4[%dma_wait3A_17, %dma_wait3A_18] : memref<10000x64xf32, #tpu.memory_space<hbm>> -> memref<10000x64xf32, #tpu.memory_space<hbm>>
      tpu.wait_indirect_dma semaphore(%arg11 : memref<!tpu.dma_semaphore, #tpu.memory_space<semaphore_mem>>) src(%dma_wait3A_19 : memref<10000x64xf32, #tpu.memory_space<hbm>>) dst(%arg9 : memref<80x64xf32, #tpu.memory_space<vmem>>)
      "tpu.region"() ({
        %run_scoped3A = tpu.sem_alloc : memref<!tpu.dma_semaphore, #tpu.memory_space<semaphore_mem>>
        %dma_start3A_20 = arith.constant 0 : i32
        %dma_start3A_21 = tpu.memref_slice %arg8[%scan3A_9, %dma_start3A_20] : memref<125x80xi32, #tpu.memory_space<vmem>> -> memref<1x80xi32, #tpu.memory_space<vmem>>
        %dma_start3A_22 = tpu.memref_squeeze %dma_start3A_21 : memref<1x80xi32, #tpu.memory_space<vmem>> -> memref<80xi32, #tpu.memory_space<vmem>>
        %dma_start3A_23 = arith.constant 0 : i32
        %dma_start3A_24 = arith.constant 0 : i32
        %dma_start3A_25 = tpu.memref_slice %arg10[%dma_start3A_23, %dma_start3A_24] : memref<10240x64xf32, #tpu.memory_space<vmem_shared>> -> memref<10240x64xf32, #tpu.memory_space<vmem_shared>>
        tpu.enqueue_indirect_dma source(%arg9 : memref<80x64xf32, #tpu.memory_space<vmem>>) target(%dma_start3A_25 : memref<10240x64xf32, #tpu.memory_space<vmem_shared>>) offsets(%dma_start3A_22 : memref<80xi32, #tpu.memory_space<vmem>>) semaphore(%run_scoped3A : memref<!tpu.dma_semaphore, #tpu.memory_space<semaphore_mem>>) {add = true}
        %dma_wait3A_26 = arith.constant 0 : i32
        %dma_wait3A_27 = tpu.memref_slice %arg8[%scan3A_9, %dma_wait3A_26] : memref<125x80xi32, #tpu.memory_space<vmem>> -> memref<1x80xi32, #tpu.memory_space<vmem>>
        %dma_wait3A_28 = tpu.memref_squeeze %dma_wait3A_27 : memref<1x80xi32, #tpu.memory_space<vmem>> -> memref<80xi32, #tpu.memory_space<vmem>>
        %dma_wait3A_29 = arith.constant 0 : i32
        %dma_wait3A_30 = arith.constant 0 : i32
        %dma_wait3A_31 = tpu.memref_slice %arg10[%dma_wait3A_29, %dma_wait3A_30] : memref<10240x64xf32, #tpu.memory_space<vmem_shared>> -> memref<10240x64xf32, #tpu.memory_space<vmem_shared>>
        tpu.wait_indirect_dma semaphore(%run_scoped3A : memref<!tpu.dma_semaphore, #tpu.memory_space<semaphore_mem>>) src(%arg9 : memref<80x64xf32, #tpu.memory_space<vmem>>) dst(%dma_wait3A_31 : memref<10240x64xf32, #tpu.memory_space<vmem_shared>>)
        tpu.yield
      }) : () -> ()
    }
    %scan3A_7 = arith.constant 125 : i32
    %barrier3A_8 = arith.constant 0 : index
    tpu.barrier barrier_id(%barrier3A_8)
    "tpu.region"() ({
      %run_scoped3A = tpu.sem_alloc : memref<!tpu.dma_semaphore, #tpu.memory_space<semaphore_mem>>
      %dma_start3A = arith.constant 0 : i32
      %dma_start3A_9 = tpu.memref_slice %arg6[%arg0, %mul3A_2, %dma_start3A] : memref<2x10240x64xf32, #tpu.memory_space<hbm>> -> memref<1x640x64xf32, #tpu.memory_space<hbm>>
      %dma_start3A_10 = tpu.memref_squeeze %dma_start3A_9 : memref<1x640x64xf32, #tpu.memory_space<hbm>> -> memref<640x64xf32, #tpu.memory_space<hbm>>
      %dma_start3A_11 = arith.constant 0 : i32
      %dma_start3A_12 = tpu.memref_slice %arg10[%mul3A_2, %dma_start3A_11] : memref<10240x64xf32, #tpu.memory_space<vmem_shared>> -> memref<640x64xf32, #tpu.memory_space<vmem_shared>>
      tpu.enqueue_dma source(%dma_start3A_12 : memref<640x64xf32, #tpu.memory_space<vmem_shared>>) target(%dma_start3A_10 : memref<640x64xf32, #tpu.memory_space<hbm>>) target_semaphore(%run_scoped3A : memref<!tpu.dma_semaphore, #tpu.memory_space<semaphore_mem>>)
      %dma_wait3A = arith.constant 0 : i32
      %dma_wait3A_13 = tpu.memref_slice %arg6[%arg0, %mul3A_2, %dma_wait3A] : memref<2x10240x64xf32, #tpu.memory_space<hbm>> -> memref<1x640x64xf32, #tpu.memory_space<hbm>>
      %dma_wait3A_14 = tpu.memref_squeeze %dma_wait3A_13 : memref<1x640x64xf32, #tpu.memory_space<hbm>> -> memref<640x64xf32, #tpu.memory_space<hbm>>
      %dma_wait3A_15 = arith.constant 0 : i32
      %dma_wait3A_16 = tpu.memref_slice %arg10[%mul3A_2, %dma_wait3A_15] : memref<10240x64xf32, #tpu.memory_space<vmem_shared>> -> memref<640x64xf32, #tpu.memory_space<vmem_shared>>
      tpu.wait_dma2 semaphore(%run_scoped3A : memref<!tpu.dma_semaphore, #tpu.memory_space<semaphore_mem>>) src(%dma_wait3A_16 : memref<640x64xf32, #tpu.memory_space<vmem_shared>>) dst(%dma_wait3A_14 : memref<640x64xf32, #tpu.memory_space<hbm>>)
      tpu.yield
    }) : () -> ()
    return
  }
}

module attributes {stable_mosaic.version = 14 : i64} {
  func.func @_prescale_body(%arg0: i32, %arg1: memref<1000x128xf32, #tpu.memory_space<vmem>>, %arg2: memref<128x128xf32, #tpu.memory_space<vmem>>, %arg3: memref<1000x1xf32, #tpu.memory_space<vmem>>, %arg4: memref<1000x1xf32, #tpu.memory_space<vmem>>, %arg5: memref<1000x128xf32, #tpu.memory_space<vmem>>, %arg6: memref<1000x1xf32, #tpu.memory_space<vmem>>) attributes {dimension_semantics = [#tpu.dimension_semantics<arbitrary>], iteration_bounds = array<i64: 10>, scalar_prefetch = 0 : i64, scratch_operands = 0 : i64, tpu.core_type = #tpu.core_type<tc>, window_params = [{transform_indices = @transform_0, window_bounds = array<i64: 1000, 128>}, {pipeline_mode = #tpu.pipeline_mode<synchronous>, transform_indices = @transform_1, window_bounds = array<i64: 128, 128>}, {transform_indices = @transform_2, window_bounds = array<i64: 1000, 1>}, {transform_indices = @transform_3, window_bounds = array<i64: 1000, 1>}, {transform_indices = @transform_4, window_bounds = array<i64: 1000, 128>}, {transform_indices = @transform_5, window_bounds = array<i64: 1000, 1>}]} {
    %get3A = arith.constant 0 : index
    %get3A_0 = arith.constant 0 : index
    %get3A_1 = vector.load %arg3[%get3A, %get3A_0] : memref<1000x1xf32, #tpu.memory_space<vmem>>, vector<1000x1xf32>
    %get3A_2 = arith.constant 0 : index
    %get3A_3 = arith.constant 0 : index
    %get3A_4 = vector.load %arg4[%get3A_2, %get3A_3] : memref<1000x1xf32, #tpu.memory_space<vmem>>, vector<1000x1xf32>
    %add3A = arith.addf %get3A_1, %get3A_4 : vector<1000x1xf32>
    %add3A_5 = arith.constant 1.000000e+00 : f32
    %add3A_6 = vector.broadcast %add3A_5 : f32 to vector<1000x1xf32>
    %add3A_7 = arith.addf %add3A, %add3A_6 : vector<1000x1xf32>
    %rsqrt3A = math.rsqrt %add3A_7 : vector<1000x1xf32>
    %get3A_8 = arith.constant 0 : index
    %get3A_9 = arith.constant 0 : index
    %get3A_10 = vector.load %arg1[%get3A_8, %get3A_9] : memref<1000x128xf32, #tpu.memory_space<vmem>>, vector<1000x128xf32>
    %get3A_11 = arith.constant 0 : index
    %get3A_12 = arith.constant 0 : index
    %get3A_13 = vector.load %arg2[%get3A_11, %get3A_12] : memref<128x128xf32, #tpu.memory_space<vmem>>, vector<128x128xf32>
    %dot_general3A = arith.constant dense<0.000000e+00> : vector<1000x128xf32>
    %dot_general3A_14 = tpu.matmul %get3A_10, %get3A_13, %dot_general3A {dimension_numbers = #tpu.dot_dimension_numbers<[1], [0], [0], [1], [0, 0, 1, 1], [], []>, transpose_lhs_hint = false} : vector<1000x128xf32>, vector<128x128xf32>, vector<1000x128xf32> -> vector<1000x128xf32>
    %mul3A = vector.broadcast %rsqrt3A : vector<1000x1xf32> to vector<1000x128xf32>
    %mul3A_15 = arith.mulf %dot_general3A_14, %mul3A : vector<1000x128xf32>
    %swap3A = arith.constant 0 : index
    %swap3A_16 = arith.constant 0 : index
    %swap3A_17 = vector.load %arg5[%swap3A, %swap3A_16] : memref<1000x128xf32, #tpu.memory_space<vmem>>, vector<1000x128xf32>
    tpu.vector_store %arg5[%swap3A, %swap3A_16], %mul3A_15 {strides = array<i32>} : memref<1000x128xf32, #tpu.memory_space<vmem>>, vector<1000x128xf32>,
    %swap3A_18 = arith.constant 0 : index
    %swap3A_19 = arith.constant 0 : index
    %swap3A_20 = vector.load %arg6[%swap3A_18, %swap3A_19] : memref<1000x1xf32, #tpu.memory_space<vmem>>, vector<1000x1xf32>
    tpu.vector_store %arg6[%swap3A_18, %swap3A_19], %rsqrt3A {strides = array<i32>} : memref<1000x1xf32, #tpu.memory_space<vmem>>, vector<1000x1xf32>,
    return
  }
  func.func @transform_0(%arg0: i32) -> (i32, i32) {
    %c0_i32 = arith.constant 0 : i32
    %c0_i32_0 = arith.constant 0 : i32
    return %arg0, %c0_i32 : i32, i32
  }
  func.func @transform_1(%arg0: i32) -> (i32, i32) {
    %c0_i32 = arith.constant 0 : i32
    %c0_i32_0 = arith.constant 0 : i32
    %c0_i32_1 = arith.constant 0 : i32
    return %c0_i32, %c0_i32_0 : i32, i32
  }
  func.func @transform_2(%arg0: i32) -> (i32, i32) {
    %c0_i32 = arith.constant 0 : i32
    %c0_i32_0 = arith.constant 0 : i32
    return %arg0, %c0_i32 : i32, i32
  }
  func.func @transform_3(%arg0: i32) -> (i32, i32) {
    %c0_i32 = arith.constant 0 : i32
    %c0_i32_0 = arith.constant 0 : i32
    return %arg0, %c0_i32 : i32, i32
  }
  func.func @transform_4(%arg0: i32) -> (i32, i32) {
    %c0_i32 = arith.constant 0 : i32
    %c0_i32_0 = arith.constant 0 : i32
    return %arg0, %c0_i32 : i32, i32
  }
  func.func @transform_5(%arg0: i32) -> (i32, i32) {
    %c0_i32 = arith.constant 0 : i32
    %c0_i32_0 = arith.constant 0 : i32
    return %arg0, %c0_i32 : i32, i32
  }
}

module attributes {stable_mosaic.version = 14 : i64} {
  func.func @_mid_body(%arg0: i32, %arg1: memref<1000x128xf32, #tpu.memory_space<vmem>>, %arg2: memref<1000x128xf32, #tpu.memory_space<vmem>>, %arg3: memref<1000x128xf32, #tpu.memory_space<vmem>>, %arg4: memref<1000x1xf32, #tpu.memory_space<vmem>>, %arg5: memref<1x128xf32, #tpu.memory_space<vmem>>, %arg6: memref<128x64xf32, #tpu.memory_space<vmem>>, %arg7: memref<1000x64xf32, #tpu.memory_space<vmem>>) attributes {dimension_semantics = [#tpu.dimension_semantics<arbitrary>], iteration_bounds = array<i64: 10>, scalar_prefetch = 0 : i64, scratch_operands = 0 : i64, tpu.core_type = #tpu.core_type<tc>, window_params = [{transform_indices = @transform_0, window_bounds = array<i64: 1000, 128>}, {transform_indices = @transform_1, window_bounds = array<i64: 1000, 128>}, {transform_indices = @transform_2, window_bounds = array<i64: 1000, 128>}, {transform_indices = @transform_3, window_bounds = array<i64: 1000, 1>}, {pipeline_mode = #tpu.pipeline_mode<synchronous>, transform_indices = @transform_4, window_bounds = array<i64: 1, 128>}, {pipeline_mode = #tpu.pipeline_mode<synchronous>, transform_indices = @transform_5, window_bounds = array<i64: 128, 64>}, {transform_indices = @transform_6, window_bounds = array<i64: 1000, 64>}]} {
    %get3A = arith.constant 0 : index
    %get3A_0 = arith.constant 0 : index
    %get3A_1 = vector.load %arg4[%get3A, %get3A_0] : memref<1000x1xf32, #tpu.memory_space<vmem>>, vector<1000x1xf32>
    %get3A_2 = arith.constant 0 : index
    %get3A_3 = arith.constant 0 : index
    %get3A_4 = vector.load %arg1[%get3A_2, %get3A_3] : memref<1000x128xf32, #tpu.memory_space<vmem>>, vector<1000x128xf32>
    %get3A_5 = arith.constant 0 : index
    %get3A_6 = arith.constant 0 : index
    %get3A_7 = vector.load %arg2[%get3A_5, %get3A_6] : memref<1000x128xf32, #tpu.memory_space<vmem>>, vector<1000x128xf32>
    %add3A = arith.addf %get3A_4, %get3A_7 : vector<1000x128xf32>
    %get3A_8 = arith.constant 0 : index
    %get3A_9 = arith.constant 0 : index
    %get3A_10 = vector.load %arg3[%get3A_8, %get3A_9] : memref<1000x128xf32, #tpu.memory_space<vmem>>, vector<1000x128xf32>
    %add3A_11 = arith.addf %add3A, %get3A_10 : vector<1000x128xf32>
    %mul3A = vector.broadcast %get3A_1 : vector<1000x1xf32> to vector<1000x128xf32>
    %mul3A_12 = arith.mulf %mul3A, %add3A_11 : vector<1000x128xf32>
    %get3A_13 = arith.constant 0 : index
    %get3A_14 = arith.constant 0 : index
    %get3A_15 = vector.load %arg5[%get3A_13, %get3A_14] : memref<1x128xf32, #tpu.memory_space<vmem>>, vector<1x128xf32>
    %add3A_16 = vector.broadcast %get3A_15 : vector<1x128xf32> to vector<1000x128xf32>
    %add3A_17 = arith.addf %mul3A_12, %add3A_16 : vector<1000x128xf32>
    %max3A = arith.constant 0.000000e+00 : f32
    %max3A_18 = vector.broadcast %max3A : f32 to vector<1000x128xf32>
    %max3A_19 = arith.maximumf %add3A_17, %max3A_18 : vector<1000x128xf32>
    %get3A_20 = arith.constant 0 : index
    %get3A_21 = arith.constant 0 : index
    %get3A_22 = vector.load %arg6[%get3A_20, %get3A_21] : memref<128x64xf32, #tpu.memory_space<vmem>>, vector<128x64xf32>
    %dot_general3A = arith.constant dense<0.000000e+00> : vector<1000x64xf32>
    %dot_general3A_23 = tpu.matmul %max3A_19, %get3A_22, %dot_general3A {dimension_numbers = #tpu.dot_dimension_numbers<[1], [0], [0], [1], [0, 0, 1, 1], [], []>, transpose_lhs_hint = false} : vector<1000x128xf32>, vector<128x64xf32>, vector<1000x64xf32> -> vector<1000x64xf32>
    %mul3A_24 = vector.broadcast %get3A_1 : vector<1000x1xf32> to vector<1000x64xf32>
    %mul3A_25 = arith.mulf %dot_general3A_23, %mul3A_24 : vector<1000x64xf32>
    %swap3A = arith.constant 0 : index
    %swap3A_26 = arith.constant 0 : index
    %swap3A_27 = vector.load %arg7[%swap3A, %swap3A_26] : memref<1000x64xf32, #tpu.memory_space<vmem>>, vector<1000x64xf32>
    tpu.vector_store %arg7[%swap3A, %swap3A_26], %mul3A_25 {strides = array<i32>} : memref<1000x64xf32, #tpu.memory_space<vmem>>, vector<1000x64xf32>,
    return
  }
  func.func @transform_0(%arg0: i32) -> (i32, i32) {
    %c0_i32 = arith.constant 0 : i32
    %c0_i32_0 = arith.constant 0 : i32
    return %arg0, %c0_i32 : i32, i32
  }
  func.func @transform_1(%arg0: i32) -> (i32, i32) {
    %c0_i32 = arith.constant 0 : i32
    %c0_i32_0 = arith.constant 0 : i32
    return %arg0, %c0_i32 : i32, i32
  }
  func.func @transform_2(%arg0: i32) -> (i32, i32) {
    %c0_i32 = arith.constant 0 : i32
    %c0_i32_0 = arith.constant 0 : i32
    return %arg0, %c0_i32 : i32, i32
  }
  func.func @transform_3(%arg0: i32) -> (i32, i32) {
    %c0_i32 = arith.constant 0 : i32
    %c0_i32_0 = arith.constant 0 : i32
    return %arg0, %c0_i32 : i32, i32
  }
  func.func @transform_4(%arg0: i32) -> (i32, i32) {
    %c0_i32 = arith.constant 0 : i32
    %c0_i32_0 = arith.constant 0 : i32
    %c0_i32_1 = arith.constant 0 : i32
    return %c0_i32, %c0_i32_0 : i32, i32
  }
  func.func @transform_5(%arg0: i32) -> (i32, i32) {
    %c0_i32 = arith.constant 0 : i32
    %c0_i32_0 = arith.constant 0 : i32
    %c0_i32_1 = arith.constant 0 : i32
    return %c0_i32, %c0_i32_0 : i32, i32
  }
  func.func @transform_6(%arg0: i32) -> (i32, i32) {
    %c0_i32 = arith.constant 0 : i32
    %c0_i32_0 = arith.constant 0 : i32
    return %arg0, %c0_i32 : i32, i32
  }
}

module attributes {stable_mosaic.version = 14 : i64} {
  func.func @_final_body(%arg0: i32, %arg1: memref<1000x64xf32, #tpu.memory_space<vmem>>, %arg2: memref<1000x64xf32, #tpu.memory_space<vmem>>, %arg3: memref<1000x64xf32, #tpu.memory_space<vmem>>, %arg4: memref<1000x1xf32, #tpu.memory_space<vmem>>, %arg5: memref<1x64xf32, #tpu.memory_space<vmem>>, %arg6: memref<64x64xf32, #tpu.memory_space<vmem>>, %arg7: memref<1x64xf32, #tpu.memory_space<vmem>>, %arg8: memref<1000x64xf32, #tpu.memory_space<vmem>>, %arg9: memref<1000x64xf32, #tpu.memory_space<vmem>>) attributes {dimension_semantics = [#tpu.dimension_semantics<arbitrary>], iteration_bounds = array<i64: 10>, scalar_prefetch = 0 : i64, scratch_operands = 0 : i64, tpu.core_type = #tpu.core_type<tc>, window_params = [{transform_indices = @transform_0, window_bounds = array<i64: 1000, 64>}, {transform_indices = @transform_1, window_bounds = array<i64: 1000, 64>}, {transform_indices = @transform_2, window_bounds = array<i64: 1000, 64>}, {transform_indices = @transform_3, window_bounds = array<i64: 1000, 1>}, {pipeline_mode = #tpu.pipeline_mode<synchronous>, transform_indices = @transform_4, window_bounds = array<i64: 1, 64>}, {pipeline_mode = #tpu.pipeline_mode<synchronous>, transform_indices = @transform_5, window_bounds = array<i64: 64, 64>}, {pipeline_mode = #tpu.pipeline_mode<synchronous>, transform_indices = @transform_6, window_bounds = array<i64: 1, 64>}, {transform_indices = @transform_7, window_bounds = array<i64: 1000, 64>}, {transform_indices = @transform_8, window_bounds = array<i64: 1000, 64>}]} {
    %get3A = arith.constant 0 : index
    %get3A_0 = arith.constant 0 : index
    %get3A_1 = vector.load %arg4[%get3A, %get3A_0] : memref<1000x1xf32, #tpu.memory_space<vmem>>, vector<1000x1xf32>
    %get3A_2 = arith.constant 0 : index
    %get3A_3 = arith.constant 0 : index
    %get3A_4 = vector.load %arg1[%get3A_2, %get3A_3] : memref<1000x64xf32, #tpu.memory_space<vmem>>, vector<1000x64xf32>
    %get3A_5 = arith.constant 0 : index
    %get3A_6 = arith.constant 0 : index
    %get3A_7 = vector.load %arg2[%get3A_5, %get3A_6] : memref<1000x64xf32, #tpu.memory_space<vmem>>, vector<1000x64xf32>
    %add3A = arith.addf %get3A_4, %get3A_7 : vector<1000x64xf32>
    %get3A_8 = arith.constant 0 : index
    %get3A_9 = arith.constant 0 : index
    %get3A_10 = vector.load %arg3[%get3A_8, %get3A_9] : memref<1000x64xf32, #tpu.memory_space<vmem>>, vector<1000x64xf32>
    %add3A_11 = arith.addf %add3A, %get3A_10 : vector<1000x64xf32>
    %mul3A = vector.broadcast %get3A_1 : vector<1000x1xf32> to vector<1000x64xf32>
    %mul3A_12 = arith.mulf %mul3A, %add3A_11 : vector<1000x64xf32>
    %get3A_13 = arith.constant 0 : index
    %get3A_14 = arith.constant 0 : index
    %get3A_15 = vector.load %arg5[%get3A_13, %get3A_14] : memref<1x64xf32, #tpu.memory_space<vmem>>, vector<1x64xf32>
    %add3A_16 = vector.broadcast %get3A_15 : vector<1x64xf32> to vector<1000x64xf32>
    %add3A_17 = arith.addf %mul3A_12, %add3A_16 : vector<1000x64xf32>
    %swap3A = arith.constant 0 : index
    %swap3A_18 = arith.constant 0 : index
    %swap3A_19 = vector.load %arg8[%swap3A, %swap3A_18] : memref<1000x64xf32, #tpu.memory_space<vmem>>, vector<1000x64xf32>
    tpu.vector_store %arg8[%swap3A, %swap3A_18], %add3A_17 {strides = array<i32>} : memref<1000x64xf32, #tpu.memory_space<vmem>>, vector<1000x64xf32>,
    %get3A_20 = arith.constant 0 : index
    %get3A_21 = arith.constant 0 : index
    %get3A_22 = vector.load %arg6[%get3A_20, %get3A_21] : memref<64x64xf32, #tpu.memory_space<vmem>>, vector<64x64xf32>
    %dot_general3A = arith.constant dense<0.000000e+00> : vector<1000x64xf32>
    %dot_general3A_23 = tpu.matmul %add3A_17, %get3A_22, %dot_general3A {dimension_numbers = #tpu.dot_dimension_numbers<[1], [0], [0], [1], [0, 0, 1, 1], [], []>, transpose_lhs_hint = false} : vector<1000x64xf32>, vector<64x64xf32>, vector<1000x64xf32> -> vector<1000x64xf32>
    %get3A_24 = arith.constant 0 : index
    %get3A_25 = arith.constant 0 : index
    %get3A_26 = vector.load %arg7[%get3A_24, %get3A_25] : memref<1x64xf32, #tpu.memory_space<vmem>>, vector<1x64xf32>
    %add3A_27 = vector.broadcast %get3A_26 : vector<1x64xf32> to vector<1000x64xf32>
    %add3A_28 = arith.addf %dot_general3A_23, %add3A_27 : vector<1000x64xf32>
    %swap3A_29 = arith.constant 0 : index
    %swap3A_30 = arith.constant 0 : index
    %swap3A_31 = vector.load %arg9[%swap3A_29, %swap3A_30] : memref<1000x64xf32, #tpu.memory_space<vmem>>, vector<1000x64xf32>
    tpu.vector_store %arg9[%swap3A_29, %swap3A_30], %add3A_28 {strides = array<i32>} : memref<1000x64xf32, #tpu.memory_space<vmem>>, vector<1000x64xf32>,
    return
  }
  func.func @transform_0(%arg0: i32) -> (i32, i32) {
    %c0_i32 = arith.constant 0 : i32
    %c0_i32_0 = arith.constant 0 : i32
    return %arg0, %c0_i32 : i32, i32
  }
  func.func @transform_1(%arg0: i32) -> (i32, i32) {
    %c0_i32 = arith.constant 0 : i32
    %c0_i32_0 = arith.constant 0 : i32
    return %arg0, %c0_i32 : i32, i32
  }
  func.func @transform_2(%arg0: i32) -> (i32, i32) {
    %c0_i32 = arith.constant 0 : i32
    %c0_i32_0 = arith.constant 0 : i32
    return %arg0, %c0_i32 : i32, i32
  }
  func.func @transform_3(%arg0: i32) -> (i32, i32) {
    %c0_i32 = arith.constant 0 : i32
    %c0_i32_0 = arith.constant 0 : i32
    return %arg0, %c0_i32 : i32, i32
  }
  func.func @transform_4(%arg0: i32) -> (i32, i32) {
    %c0_i32 = arith.constant 0 : i32
    %c0_i32_0 = arith.constant 0 : i32
    %c0_i32_1 = arith.constant 0 : i32
    return %c0_i32, %c0_i32_0 : i32, i32
  }
  func.func @transform_5(%arg0: i32) -> (i32, i32) {
    %c0_i32 = arith.constant 0 : i32
    %c0_i32_0 = arith.constant 0 : i32
    %c0_i32_1 = arith.constant 0 : i32
    return %c0_i32, %c0_i32_0 : i32, i32
  }
  func.func @transform_6(%arg0: i32) -> (i32, i32) {
    %c0_i32 = arith.constant 0 : i32
    %c0_i32_0 = arith.constant 0 : i32
    %c0_i32_1 = arith.constant 0 : i32
    return %c0_i32, %c0_i32_0 : i32, i32
  }
  func.func @transform_7(%arg0: i32) -> (i32, i32) {
    %c0_i32 = arith.constant 0 : i32
    %c0_i32_0 = arith.constant 0 : i32
    return %arg0, %c0_i32 : i32, i32
  }
  func.func @transform_8(%arg0: i32) -> (i32, i32) {
    %c0_i32 = arith.constant 0 : i32
    %c0_i32_0 = arith.constant 0 : i32
    return %arg0, %c0_i32 : i32, i32
  }
}

</mosaic_0001>

<sc_bundles>
// kernel: kernel.11.cloned.1.call-start
scs
__scs_entry_jumppad:
0x0: {  	(pc) =	sbr.rel $0x88, $3  }
0x1: {  	(tag) =	ssettag $0x0;
	lr =	simm.s32 $0x1  }
0x2: {  	[smem:$0x3F99] =	sst lr;
	_ =	strace $0xD0000000  }
0x3: {  	_ = 	snop  }
0x4: {  	_ = 	snop  }
0x5: {  	_ = 	snop  }
0x6: {  	_ = 	snop  }
0x7: {  	_ = 	snop  }
__scs_overlays_trampoline_lowered:
0x8: {  	[smem:$0x3FA8] =	sst s0  }
0x9: {  	[smem:$0x3FA9] =	sst s1  }
0xa: {  	[smem:$0x3FAA] =	sst s2  }
0xb: {  	[smem:$0x3FAB] =	sst s3  }
0xc: {  	[smem:$0x3FAC] =	sst s4  }
0xd: {  	[smem:$0x3FAD] =	sst s5  }
0xe: {  	[smem:$0x3FAE] =	sst s6  }
0xf: {  	[smem:$0x3FAF] =	sst s7  }
0x10: {  	[smem:$0x3FB0] =	sst s8  }
0x11: {  	[smem:$0x3FB1] =	sst s9;
	s0 =	simm.s32 @!p0 $0x0  }
0x12: {  	s1 =	sld [smem:$0x3F97];
	s0 =	simm.s32 @p0 $0x1  }
0x13: {  	[smem:$0x3FB2] =	sst s0;
	s0 =	simm.s32 @!p1 $0x0  }
0x14: {  	s2 =	sld [smem:$0x3F96];
	s0 =	simm.s32 @p1 $0x1  }
0x15: {  	[smem:$0x3FB3] =	sst s0;
	s0 =	simm.s32 @!p2 $0x0  }
0x16: {  	s3 =	sld [smem:$0x3FDB];
	s0 =	simm.s32 @p2 $0x1  }
0x17: {  	s4 =	simm.s32 $0x1BF5;
	[smem:$0x3FB5] =	sst s0  }
0x18: {  	s0 =	sld [smem:$0x3F98];
	_ =	swait.ge [sflag:s4], $0x0  }
0x19: {  	s7 =	sld [smem:$0x3F99]  }
0x1a: {  	s8 =	sadd.s32 $0xFFFFE003, lr  }
0x1b: {  	s9 =	sadd.s32 $0xFFFFFEF7, lr;
	s5 =	simm.s32 $0xFFFFFFFF;
	p2 =	slt.u32 s8, $0xFFFFF086  }
0x1c: {  	p1 =	slt.u32 s9, $0xF7A;
	s5 =	simm.s32 @!p2 $0x0  }
0x1d: {  	s5 =	simm.s32 @p1 $0x1;
	p0 =	seq.s32 s7, s2  }
0x1e: {  	s7 =	smul.u32 @!p0 $0xF7A, s2;
	p2 =	seq.s32 @!p0 s5, $0x0  }
0x1f: {  	s9 =	smul.u32 $0xF7A, s1;
	s8 =	simm.s32 @!p0 $0x1BF5;
	p2 =	por !p2, p0  }
0x20: {  	[sflag:s8] =	ssyncset.s32 @!p0 $0xFFFFF086;
	s6 =	sadd.s32 @!p0 s3, s7;
	s7 =	simm.s32 @!p0 $0x108  }
0x21: {  	s3 =	sadd.s32 s3, s9;
	s6 =	sadd.s32 @!p0 $0x88, s6;
	s7 =	simm.s32 @p2 $0x1082  }
0x22: {  	[simem:s7], [sflag:s8] =	dma.local @!p0 [hbm:s6], $0xF7A  }
0x23: {  	s9 =	sor.u32 $0xD0000000, s2;
	s6 =	simm.s32 $0x108;
	_ =	swait.ge @!p0 [sflag:s8], $0x0  }
0x24: {  	s3 =	sadd.s32 $0x88, s3;
	s6 =	simm.s32 @!p1 $0x1082;
	[sflag:s4] =	ssyncset.s32 $0xFFFFF086  }
0x25: {  	[simem:s6], [sflag:s4] =	dma.local [hbm:s3], $0xF7A  }
0x26: {  	[smem:$0x3F99] =	sst s1;
	(tag) =	ssettag s2;
	_ =	strace s9  }
0x27: {  	s1 =	sld [smem:$0x3FA9]  }
0x28: {  	s2 =	sld [smem:$0x3FAA]  }
0x29: {  	s4 =	sld [smem:$0x3FAC]  }
0x2a: {  	p0 =	seq.s32 s5, $0x0;
	s5 =	sld [smem:$0x3FAD]  }
0x2b: {  	s6 =	sld [smem:$0x3FAE]  }
0x2c: {  	s7 =	sld [smem:$0x3FAF]  }
0x2d: {  	s3 =	simm.s32 $0x108;
	s8 =	sld [smem:$0x3FB0]  }
0x2e: {  	s3 =	simm.s32 @!p0 $0x1082;
	s9 =	sld [smem:$0x3FB1]  }
0x2f: {  	lr =	sadd.s32 s0, s3;
	s0 =	sld [smem:$0x3FA8]  }
0x30: {  	s3 =	sld [smem:$0x3FAB]  }
0x31: {  	[smem:$0x3FB4] =	sst s10  }
0x32: {  	s10 =	sld [smem:$0x3FB2];
	_ =	sdelay $0x3  }
0x33: {  	p0 =	seq.s32 s10, $0x1;
	s10 =	sld [smem:$0x3FB4];
	_ =	sdelay $0x3  }
0x34: {  	[smem:$0x3FB4] =	sst s10  }
0x35: {  	s10 =	sld [smem:$0x3FB3];
	_ =	sdelay $0x3  }
0x36: {  	p1 =	seq.s32 s10, $0x1;
	s10 =	sld [smem:$0x3FB4];
	_ =	sdelay $0x3  }
0x37: {  	[smem:$0x3FB4] =	sst s10  }
0x38: {  	s10 =	sld [smem:$0x3FB5]  }
0x39: {  	_ = 	snop;
	(pc) =	sbr.ind lr, $3  }
0x3a: {  	_ = 	snop  }
0x3b: {  	_ = 	snop  }
0x3c: {  	p2 =	seq.s32 s10, $0x1;
	s10 =	sld [smem:$0x3FB4]  }
0x3d: {  	_ =	shalt  }
0x3e: {  	_ =	shalt  }
0x3f: {  	_ =	shalt  }
0x40: {  	_ =	shalt  }
0x41: {  	_ =	shalt  }
0x42: {  	_ =	shalt  }
0x43: {  	_ =	shalt  }
0x44: {  	_ =	shalt  }
0x45: {  	_ =	shalt  }
0x46: {  	_ =	shalt  }
0x47: {  	_ =	shalt  }
0x48: {  	_ =	shalt  }
0x49: {  	_ =	shalt  }
0x4a: {  	_ =	shalt  }
0x4b: {  	_ =	shalt  }
0x4c: {  	_ =	shalt  }
0x4d: {  	_ =	shalt  }
0x4e: {  	_ =	shalt  }
0x4f: {  	_ =	shalt  }
0x50: {  	_ =	shalt  }
0x51: {  	_ =	shalt  }
0x52: {  	_ =	shalt  }
0x53: {  	_ =	shalt  }
0x54: {  	_ =	shalt  }
0x55: {  	_ =	shalt  }
0x56: {  	_ =	shalt  }
0x57: {  	_ =	shalt  }
0x58: {  	_ =	shalt  }
0x59: {  	_ =	shalt  }
0x5a: {  	_ =	shalt  }
0x5b: {  	_ =	shalt  }
0x5c: {  	_ =	shalt  }
0x5d: {  	_ =	shalt  }
0x5e: {  	_ =	shalt  }
0x5f: {  	_ =	shalt  }
0x60: {  	_ =	shalt  }
0x61: {  	_ =	shalt  }
0x62: {  	_ =	shalt  }
0x63: {  	_ =	shalt  }
0x64: {  	_ =	shalt  }
0x65: {  	_ =	shalt  }
0x66: {  	_ =	shalt  }
0x67: {  	_ =	shalt  }
0x68: {  	_ =	shalt  }
0x69: {  	_ =	shalt  }
0x6a: {  	_ =	shalt  }
0x6b: {  	_ =	shalt  }
0x6c: {  	_ =	shalt  }
0x6d: {  	_ =	shalt  }
0x6e: {  	_ =	shalt  }
0x6f: {  	_ =	shalt  }
0x70: {  	_ =	shalt  }
0x71: {  	_ =	shalt  }
0x72: {  	_ =	shalt  }
0x73: {  	_ =	shalt  }
0x74: {  	_ =	shalt  }
0x75: {  	_ =	shalt  }
0x76: {  	_ =	shalt  }
0x77: {  	_ =	shalt  }
0x78: {  	_ =	shalt  }
0x79: {  	_ =	shalt  }
0x7a: {  	_ =	shalt  }
0x7b: {  	_ =	shalt  }
0x7c: {  	_ =	shalt  }
0x7d: {  	_ =	shalt  }
0x7e: {  	_ =	shalt  }
0x7f: {  	_ =	shalt  }
0x80: {  	_ =	shalt  }
0x81: {  	_ =	shalt  }
0x82: {  	_ =	shalt  }
0x83: {  	_ =	shalt  }
0x84: {  	_ =	shalt  }
0x85: {  	_ =	shalt  }
0x86: {  	_ =	shalt  }
0x87: {  	_ =	shalt  }
.Lfunc_end0:
.L_simem_size_0:
called_computation.1_lowered:
.L_overlay_start_0:
0x88: {  	s2 =	sld [smem:$0x3FD9]  }
0x89: {  	s3 =	sld [smem:$0x3FFE];
	_ =	sdelay $0x1  }
0x8a: {  	s1 =	srdreg.scid  }
0x8b: {  	s0 =	sand.u32 $0x1, s1  }
0x8c: {  	s14 =	sshll.u32 s0, $0xA;
	s2 =	sadd.s32 s3, s2  }
0x8d: {  	s2 =	sadd.s32 s2, s14  }
0x8e: {  	[smem:$0x3FC0] =	sst s2  }
0x8f: {  	_ = 	snop  }
0x90: {  	s2 =	sld [smem:$0x3FD0];
	_ =	sdelay $0x2  }
0x91: {  	s15 =	simm.s32 $0xA;
	s4 =	simm.s32 $0x10  }
0x92: {  	[smem:s4], [sflag:s15] =	dma.local [hbm:s2], $0x1  }
0x93: {  	_ =	swait.eq [sflag:s15], $0x1  }
0x94: {  	[sflag:s15] =	ssyncset.done $0x0  }
0x95: {  	[sflag:s15] =	ssyncadd.s32 $0xFFFFFFFF  }
0x96: {  	s16 =	sld [smem:$0x10];
	(tm) =	ssettm $0x1  }
0x97: {  	s17 =	sld [smem:$0x3FFB];
	_ =	sdelay $0x3  }
0x98: {  	_ =	strace s17  }
0x99: {  	s3 =	sld [smem:$0x3FFC];
	_ =	sdelay $0x3  }
0x9a: {  	_ =	strace s3  }
0x9b: {  	s3 =	sld [smem:$0x3FFD];
	_ =	sdelay $0x3  }
0x9c: {  	_ =	strace s3  }
0x9d: {  	_ =	strace $0x8FFFFFFF  }
0x9e: {  	s18 =	sld [smem:$0x3FDB];
	_ =	sdelay $0x1  }
0x9f: {  	s19 =	simm.s32 $_scs_section_size  }
0xa0: {  	s5 =	simm.s32 $_size__tile_overlayer_lowered;
	s6 =	simm.s32 $_tile_overlayer_lowered  }
0xa1: {  	s22 =	simm.s32 $0x1BFF;
	s21 =	sshll.u32 s6, $0x1;
	s3 =	sadd.s32 s19, s18  }
0xa2: {  	s7 =	simm.s32 $0x0;
	s20 =	sshll.u32 s5, $0x1;
	s5 =	sadd.s32 s21, s3  }
0xa3: {  	[timem:s7], [sflag:s22] =	dma.local [hbm:s5], s20  }
0xa4: {  	_ =	swait.ge [sflag:s22], s20  }
0xa5: {  	s4 =	ssub.s32 $0x0, s20;
	[sflag:s22] =	ssyncset.done $0x0  }
0xa6: {  	[sflag:s22] =	ssyncadd.s32 s4;
	_ =	sdelay $0x1  }
0xa7: {  	s23 =	simm.s32 $0x1B8B  }
0xa8: {  	_ =	swait.ge [sflag:s23], $0x1  }
0xa9: {  	[sflag:s23] =	ssyncset.done $0x0  }
0xaa: {  	s25 =	simm.s32 $0x1B8E;
	s24 =	sld [smem:$0x3FFE];
	[sflag:s23] =	ssyncadd.s32 $0xFFFFFFFF  }
0xab: {  	s26 =	simm.s32 $execute0_lowered;
	[smem:$0x3FD2] =	sst s25  }
0xac: {  	s5 =	sshll.u32 s26, $0x1;
	_ =	strace $0x80000049;
	[dreg:$0x1] =	wrdreg $0xFFFFFFFF  }
0xad: {  	s28 =	simm.s32 $_size_execute0_lowered;
	s3 =	sadd.s32 s3, s5;
	[dreg:$0x0] =	wrdreg $0x0  }
0xae: {  	s5 =	sshll.u32 s28, $0x1;
	[dreg:$0x2] =	wrdreg s3  }
0xaf: {  	[dreg:$0x3] =	wrdreg s5  }
0xb0: {  	[dreg:$0x4] =	wrdreg $0xC0  }
0xb1: {  	_ =	task [dreg:s7], $0x5FFFF  }
0xb2: {  	[dreg:$0x1] =	wrdreg $0xFFFFFFFF  }
0xb3: {  	[dreg:$0x0] =	wrdreg $0x60  }
0xb4: {  	[dreg:$0x2] =	wrdreg s16  }
0xb5: {  	[dreg:$0x3] =	wrdreg s24  }
0xb6: {  	[dreg:$0x4] =	wrdreg $0x76200  }
0xb7: {  	[dreg:$0x5] =	wrdreg $0x9  }
0xb8: {  	_ =	task.clear_ibuf [dreg:s7], $0x6FFFF;
	_ =	strace $0x90000049  }
0xb9: {  	s29 =	simm.s32 $0x9;
	_ =	strace $0x8000004B  }
0xba: {  	_ =	swait.ge [sflag:s29], $0x1  }
0xbb: {  	[sflag:s29] =	ssyncadd.s32 $0xFFFFFFFF  }
0xbc: {  	_ =	strace $0x9000004B  }
0xbd: {  	_ =	sfence  }
0xbe: {  	s30 =	sld [smem:$0x0];
	_ =	sdelay $0x2  }
0xbf: {  	s31 =	sshll.u32 s1, $0xD;
	s1 =	sshrl.u32 s1, $0x2  }
0xc0: {  	s3 =	sand.u32 $0x4000, s31;
	s1 =	sadd.s32 s1, s30  }
0xc1: {  	s0 =	sor.u32 s3, s0;
	s1 =	sshll.u32 s1, $0x11  }
0xc2: {  	s0 =	sor.u32 s1, s0  }
0xc3: {  	s0 =	sadd.s32 $0x8F2B, s0  }
0xc4: {  	[sflag:s0] =	ssyncadd.remote.s32 $0x1  }
0xc5: {  	_ =	sfence.sel $0xFFFF  }
0xc6: {  	[dreg:$0x0] =	wrdreg $0xFFFFFFFF;
	(pc) =	sbr.abs _section_cstart, $3  }
0xc7: {  	[dreg:$0x1] =	wrdreg $0xFFFFFFFF  }
0xc8: {  	_ =	task.clear_ibuf [dreg:s7], $0x2FFFF;
	_ =	strace $0x9FFFFFFF  }
0xc9: {  	(tm) =	ssettm $0x7FFFFFFF  }
tec
execute0_lowered:
.L_overlay_start_1:
0x0: {  	(tag) =	ssettag $0x1  }
0x1: {  	s7 =	rddreg [dreg:$0x0]  }
0x2: {  	s6 =	rddreg [dreg:$0x1]  }
0x3: {  	s0 =	srdreg.scid;
	s2 =	rddreg [dreg:$0x2]  }
0x4: {  	s3 =	simm.s32 $0x0;
	s15 =	simm.s32 $0x4E20;
	s16 =	simm.s32 $0x1  }
0x5: {  	s17 =	simm.s32 $0x0;
	s5 =	sand.u32 $0x1, s0;
	s0 =	stileid.u32  }
0x6: {  	[smem:$0x7FF] =	sst s3;
	s4 =	sadd.s32 $0xCA00, s6;
	s9 =	smul.u32 $0x14000, s0  }
0x7: {  	s1 =	sshll.u32 s5, $0x4;
	s10 =	smul.u32 $0x140000, s5;
	s5 =	ssub.s32 $0x2, s5  }
0x8: {  	s31 =	sshll.u32 s0, $0x6;
	s1 =	sor.u32 s0, s1;
	s13 =	sshrl.u32 s5, $0x1  }
0x9: {  	s8 =	smul.u32 $0x4E2, s1;
	s1 =	rddreg [dreg:$0x3];
	_ =	strace $0x8000004A  }
0xa: {  	s10 =	sadd.s32 s9, s10;
	s12 =	sshrl.u32 s9, $0x3;
	s13 =	ssub.s32 s5, s13  }
0xb: {  	s14 =	sadd.s32 s9, s2;
	s10 =	sshrl.u32 s10, $0x3;
	s12 =	sadd.s32 s12, s6  }
0xc: {  	s11 =	sadd.s32 s8, s6;
	s10 =	sadd.s32 s10, s6;
	s5 =	sadd.s32 $0x5AE00, s12  }
0xd: {  	s6 =	sor.u32 $0x1C02, s31;
	s7 =	sadd.s32 s7, s8;
	s12 =	simm.s32 $0x2  }
0xe: {  	s8 =	sadd.s32 $0x2C00, s11;
	s9 =	sadd.s32 $0x82E00, s10;
	s10 =	smax.u32 s13, $0x1  }
0xf: {  	s11 =	sshrl.u32 s14, $0x3;
	s13 =	simm.s32 $0x2710;
	s14 =	simm.s32 $0x50  }
.LBB2_1:
0x10: {  	[spmem:s11], [sflag:s6] =	dma.local [hbm:s5], $0x2800  }
0x11: {  	_ =	swait.ge [sflag:s12], $0x2800  }
0x12: {  	[sflag:s12] =	ssyncset.done $0x0  }
0x13: {  	[sflag:s12] =	ssyncadd.s32 $0xFFFFD800  }
0x14: {  	[tilespmem:s3], [sflag:$0x2] =	stream.linear.gather [hbm4b:s7+s3], $0x2710, $0x38;
	[tilespmem:$0x1B620] =	vst v63  }
0x15: {  	_ =	swait.ge [sflag:s12], $0x2710  }
0x16: {  	[sflag:s12] =	ssyncset.done $0x0  }
0x17: {  	[sflag:s12] =	ssyncadd.s32 $0xFFFFD8F0  }
0x18: {  	[tilespmem:s13], [sflag:$0x2] =	stream.linear.gather [hbm4b:s8+s3], $0x2710, $0x38;
	[tilespmem:$0x1B620] =	vst v63  }
0x19: {  	_ =	swait.ge [sflag:s12], $0x2710  }
0x1a: {  	[sflag:s12] =	ssyncset.done $0x0  }
0x1b: {  	[sflag:s12] =	ssyncadd.s32 $0xFFFFD8F0  }
0x1c: {  	s18 =	simm.s32 $0x0;
	[bflag:$0x0] =	sbarrier.arrive $0xFFFF  }
0x1d: {  	[tilespmem:s15], [sflag:$0x1] =	stream.indirect.gather [hbm4b:s4+s14], $0x80, s18, s14, $0xb8;
	[tilespmem:$0x1B620] =	vst v63  }
0x1e: {  	_ =	swait.ge [sflag:s16], $0x2800  }
0x1f: {  	[sflag:s16] =	ssyncset.done $0x0  }
0x20: {  	s31 =	simm.s32 $0x2710;
	[sflag:s16] =	ssyncadd.s32 $0xFFFFD800  }
0x21: {  	[spmem:s2] =	stream.indirect.scatter.add.f32 [tilespmem:s15], [sflag:$0x2], $0x80, s31, s14, $0xb8;
	[tilespmem:$0x1B620] =	vst v63  }
0x22: {  	_ =	swait.ge [sflag:s12], $0x2800  }
0x23: {  	s19 =	simm.s32 $0x280;
	s18 =	simm.s32 $0x140;
	[sflag:s12] =	ssyncset.done $0x0  }
.LBB2_2:
0x24: {  	s20 =	sshra.s32 s18, $0x2  }
0x25: {  	[sflag:s12] =	ssyncadd.s32 $0xFFFFD800;
	s18 =	smov.u32 s19;
	s21 =	sadd.s32 $0x140, s19  }
0x26: {  	[tilespmem:s15], [sflag:$0x1] =	stream.indirect.gather [hbm4b:s4+s14], $0x80, s20, s14, $0xb8;
	[tilespmem:$0x1B620] =	vst v63  }
0x27: {  	p0 =	sne.s32 s19, $0x9B00;
	_ =	swait.ge [sflag:s16], $0x2800  }
.Ltmp0:
0x28: {  	[sflag:s16] =	ssyncset.done $0x0;
	(pc) =	sbr.rel @p0 .LBB2_2-.Ltmp0, $4  }
0x29: {  	s19 =	sadd.s32 $0x2710, s20;
	[sflag:s16] =	ssyncadd.s32 $0xFFFFD800  }
0x2a: {  	[spmem:s2] =	stream.indirect.scatter.add.f32 [tilespmem:s15], [sflag:$0x2], $0x80, s19, s14, $0xb8;
	[tilespmem:$0x1B620] =	vst v63  }
0x2b: {  	_ =	swait.ge [sflag:s12], $0x2800  }
0x2c: {  	s19 =	smov.u32 s21;
	[sflag:s12] =	ssyncset.done $0x0  }
0x2d: {  	s18 =	sshra.s32 s18, $0x2;
	[sflag:s12] =	ssyncadd.s32 $0xFFFFD800  }
0x2e: {  	[tilespmem:s15], [sflag:$0x1] =	stream.indirect.gather [hbm4b:s4+s14], $0x80, s18, s14, $0xb8;
	[tilespmem:$0x1B620] =	vst v63  }
0x2f: {  	_ =	swait.ge [sflag:s16], $0x2800  }
0x30: {  	[sflag:s16] =	ssyncset.done $0x0  }
0x31: {  	s18 =	sadd.s32 $0x2710, s18;
	[sflag:s16] =	ssyncadd.s32 $0xFFFFD800  }
0x32: {  	[spmem:s2] =	stream.indirect.scatter.add.f32 [tilespmem:s15], [sflag:$0x2], $0x80, s18, s14, $0xb8;
	[tilespmem:$0x1B620] =	vst v63  }
0x33: {  	_ =	swait.ge [sflag:s12], $0x2800  }
0x34: {  	s17 =	sadd.s32 $0x1, s17;
	[sflag:s12] =	ssyncset.done $0x0  }
0x35: {  	p0 =	sne.s32 s17, s10;
	[sflag:s12] =	ssyncadd.s32 $0xFFFFD800  }
.Ltmp1:
0x36: {  	[bflag:$0x0] =	sbarrier.arrive $0xFFFF;
	(pc) =	sbr.rel @p0 .LBB2_1-.Ltmp1, $4  }
0x37: {  	[hbm:s9], [sflag:s6] =	dma.local [spmem:s11], $0x2800  }
0x38: {  	_ =	swait.ge [sflag:s12], $0x2800  }
0x39: {  	[sflag:s12] =	ssyncset.done $0x0  }
0x3a: {  	[sflag:s12] =	ssyncadd.s32 $0xFFFFD800  }
0x3b: {  	_ =	sfence.sel $0x180000  }
0x3c: {  	[bflag:$0x0] =	sbarrier.arrive $0xFFFF  }
0x3d: {  	p0 =	sne.s32 s0, $0x0;
	_ =	strace $0x9000004A  }
0x3e: {  	s0 =	sadd.s32 @!p0 $0x100000, s1;
	[bflag:$0x2] =	sbarrier.arrive $0xFFFF  }
0x3f: {  	[sflag:s0] =	ssyncadd.tile.s32 @!p0 $0x1;
	_ =	shalt  }
.Lfunc_end2:
_tile_overlayer_lowered:
.L_overlay_start_2:
0x40: {  	(tag) =	ssettag $0x2  }
0x41: {  	s0 =	rddreg [dreg:$0x0];
	s2 =	stileid.u32  }
0x42: {  	s1 =	rddreg [dreg:$0x1];
	p0 =	sne.s32 s2, $0x0  }
0x43: {  	s3 =	rddreg [dreg:$0x2];
	[bflag:$0x3] =	sbarrier.arrive $0xFFFF;
	s2 =	simm.s32 @!p0 $0x1C02  }
0x44: {  	[timem:s3], [sflag:s2] =	dma.local @!p0 [hbm:s0], s1  }
0x45: {  	s0 =	simm.s32 @!p0 $0x2  }
0x46: {  	_ =	swait.ge @!p0 [sflag:s0], s1  }
0x47: {  	s1 =	ssub.s32 @!p0 $0x0, s1;
	[sflag:s0] =	ssyncset.done @!p0 $0x0  }
0x48: {  	[sflag:s0] =	ssyncadd.s32 @!p0 s1  }
0x49: {  	[bflag:$0x3] =	sbarrier.arrive $0xFFFF  }
0x4a: {  	_ =	shalt  }

// kernel: kernel.14.cloned.1.call-start
scs
__scs_entry_jumppad:
0x0: {  	(pc) =	sbr.rel $0x88, $3  }
0x1: {  	(tag) =	ssettag $0x0;
	lr =	simm.s32 $0x1  }
0x2: {  	[smem:$0x3F99] =	sst lr;
	_ =	strace $0xD0000000  }
0x3: {  	_ = 	snop  }
0x4: {  	_ = 	snop  }
0x5: {  	_ = 	snop  }
0x6: {  	_ = 	snop  }
0x7: {  	_ = 	snop  }
__scs_overlays_trampoline_lowered:
0x8: {  	[smem:$0x3FA8] =	sst s0  }
0x9: {  	[smem:$0x3FA9] =	sst s1  }
0xa: {  	[smem:$0x3FAA] =	sst s2  }
0xb: {  	[smem:$0x3FAB] =	sst s3  }
0xc: {  	[smem:$0x3FAC] =	sst s4  }
0xd: {  	[smem:$0x3FAD] =	sst s5  }
0xe: {  	[smem:$0x3FAE] =	sst s6  }
0xf: {  	[smem:$0x3FAF] =	sst s7  }
0x10: {  	[smem:$0x3FB0] =	sst s8  }
0x11: {  	[smem:$0x3FB1] =	sst s9;
	s0 =	simm.s32 @!p0 $0x0  }
0x12: {  	s1 =	sld [smem:$0x3F97];
	s0 =	simm.s32 @p0 $0x1  }
0x13: {  	[smem:$0x3FB2] =	sst s0;
	s0 =	simm.s32 @!p1 $0x0  }
0x14: {  	s2 =	sld [smem:$0x3F96];
	s0 =	simm.s32 @p1 $0x1  }
0x15: {  	[smem:$0x3FB3] =	sst s0;
	s0 =	simm.s32 @!p2 $0x0  }
0x16: {  	s3 =	sld [smem:$0x3FDB];
	s0 =	simm.s32 @p2 $0x1  }
0x17: {  	s4 =	simm.s32 $0x1BF5;
	[smem:$0x3FB5] =	sst s0  }
0x18: {  	s0 =	sld [smem:$0x3F98];
	_ =	swait.ge [sflag:s4], $0x0  }
0x19: {  	s7 =	sld [smem:$0x3F99]  }
0x1a: {  	s8 =	sadd.s32 $0xFFFFE003, lr  }
0x1b: {  	s9 =	sadd.s32 $0xFFFFFEF7, lr;
	s5 =	simm.s32 $0xFFFFFFFF;
	p2 =	slt.u32 s8, $0xFFFFF086  }
0x1c: {  	p1 =	slt.u32 s9, $0xF7A;
	s5 =	simm.s32 @!p2 $0x0  }
0x1d: {  	s5 =	simm.s32 @p1 $0x1;
	p0 =	seq.s32 s7, s2  }
0x1e: {  	s7 =	smul.u32 @!p0 $0xF7A, s2;
	p2 =	seq.s32 @!p0 s5, $0x0  }
0x1f: {  	s9 =	smul.u32 $0xF7A, s1;
	s8 =	simm.s32 @!p0 $0x1BF5;
	p2 =	por !p2, p0  }
0x20: {  	[sflag:s8] =	ssyncset.s32 @!p0 $0xFFFFF086;
	s6 =	sadd.s32 @!p0 s3, s7;
	s7 =	simm.s32 @!p0 $0x108  }
0x21: {  	s3 =	sadd.s32 s3, s9;
	s6 =	sadd.s32 @!p0 $0x88, s6;
	s7 =	simm.s32 @p2 $0x1082  }
0x22: {  	[simem:s7], [sflag:s8] =	dma.local @!p0 [hbm:s6], $0xF7A  }
0x23: {  	s9 =	sor.u32 $0xD0000000, s2;
	s6 =	simm.s32 $0x108;
	_ =	swait.ge @!p0 [sflag:s8], $0x0  }
0x24: {  	s3 =	sadd.s32 $0x88, s3;
	s6 =	simm.s32 @!p1 $0x1082;
	[sflag:s4] =	ssyncset.s32 $0xFFFFF086  }
0x25: {  	[simem:s6], [sflag:s4] =	dma.local [hbm:s3], $0xF7A  }
0x26: {  	[smem:$0x3F99] =	sst s1;
	(tag) =	ssettag s2;
	_ =	strace s9  }
0x27: {  	s1 =	sld [smem:$0x3FA9]  }
0x28: {  	s2 =	sld [smem:$0x3FAA]  }
0x29: {  	s4 =	sld [smem:$0x3FAC]  }
0x2a: {  	p0 =	seq.s32 s5, $0x0;
	s5 =	sld [smem:$0x3FAD]  }
0x2b: {  	s6 =	sld [smem:$0x3FAE]  }
0x2c: {  	s7 =	sld [smem:$0x3FAF]  }
0x2d: {  	s3 =	simm.s32 $0x108;
	s8 =	sld [smem:$0x3FB0]  }
0x2e: {  	s3 =	simm.s32 @!p0 $0x1082;
	s9 =	sld [smem:$0x3FB1]  }
0x2f: {  	lr =	sadd.s32 s0, s3;
	s0 =	sld [smem:$0x3FA8]  }
0x30: {  	s3 =	sld [smem:$0x3FAB]  }
0x31: {  	[smem:$0x3FB4] =	sst s10  }
0x32: {  	s10 =	sld [smem:$0x3FB2];
	_ =	sdelay $0x3  }
0x33: {  	p0 =	seq.s32 s10, $0x1;
	s10 =	sld [smem:$0x3FB4];
	_ =	sdelay $0x3  }
0x34: {  	[smem:$0x3FB4] =	sst s10  }
0x35: {  	s10 =	sld [smem:$0x3FB3];
	_ =	sdelay $0x3  }
0x36: {  	p1 =	seq.s32 s10, $0x1;
	s10 =	sld [smem:$0x3FB4];
	_ =	sdelay $0x3  }
0x37: {  	[smem:$0x3FB4] =	sst s10  }
0x38: {  	s10 =	sld [smem:$0x3FB5]  }
0x39: {  	_ = 	snop;
	(pc) =	sbr.ind lr, $3  }
0x3a: {  	_ = 	snop  }
0x3b: {  	_ = 	snop  }
0x3c: {  	p2 =	seq.s32 s10, $0x1;
	s10 =	sld [smem:$0x3FB4]  }
0x3d: {  	_ =	shalt  }
0x3e: {  	_ =	shalt  }
0x3f: {  	_ =	shalt  }
0x40: {  	_ =	shalt  }
0x41: {  	_ =	shalt  }
0x42: {  	_ =	shalt  }
0x43: {  	_ =	shalt  }
0x44: {  	_ =	shalt  }
0x45: {  	_ =	shalt  }
0x46: {  	_ =	shalt  }
0x47: {  	_ =	shalt  }
0x48: {  	_ =	shalt  }
0x49: {  	_ =	shalt  }
0x4a: {  	_ =	shalt  }
0x4b: {  	_ =	shalt  }
0x4c: {  	_ =	shalt  }
0x4d: {  	_ =	shalt  }
0x4e: {  	_ =	shalt  }
0x4f: {  	_ =	shalt  }
0x50: {  	_ =	shalt  }
0x51: {  	_ =	shalt  }
0x52: {  	_ =	shalt  }
0x53: {  	_ =	shalt  }
0x54: {  	_ =	shalt  }
0x55: {  	_ =	shalt  }
0x56: {  	_ =	shalt  }
0x57: {  	_ =	shalt  }
0x58: {  	_ =	shalt  }
0x59: {  	_ =	shalt  }
0x5a: {  	_ =	shalt  }
0x5b: {  	_ =	shalt  }
0x5c: {  	_ =	shalt  }
0x5d: {  	_ =	shalt  }
0x5e: {  	_ =	shalt  }
0x5f: {  	_ =	shalt  }
0x60: {  	_ =	shalt  }
0x61: {  	_ =	shalt  }
0x62: {  	_ =	shalt  }
0x63: {  	_ =	shalt  }
0x64: {  	_ =	shalt  }
0x65: {  	_ =	shalt  }
0x66: {  	_ =	shalt  }
0x67: {  	_ =	shalt  }
0x68: {  	_ =	shalt  }
0x69: {  	_ =	shalt  }
0x6a: {  	_ =	shalt  }
0x6b: {  	_ =	shalt  }
0x6c: {  	_ =	shalt  }
0x6d: {  	_ =	shalt  }
0x6e: {  	_ =	shalt  }
0x6f: {  	_ =	shalt  }
0x70: {  	_ =	shalt  }
0x71: {  	_ =	shalt  }
0x72: {  	_ =	shalt  }
0x73: {  	_ =	shalt  }
0x74: {  	_ =	shalt  }
0x75: {  	_ =	shalt  }
0x76: {  	_ =	shalt  }
0x77: {  	_ =	shalt  }
0x78: {  	_ =	shalt  }
0x79: {  	_ =	shalt  }
0x7a: {  	_ =	shalt  }
0x7b: {  	_ =	shalt  }
0x7c: {  	_ =	shalt  }
0x7d: {  	_ =	shalt  }
0x7e: {  	_ =	shalt  }
0x7f: {  	_ =	shalt  }
0x80: {  	_ =	shalt  }
0x81: {  	_ =	shalt  }
0x82: {  	_ =	shalt  }
0x83: {  	_ =	shalt  }
0x84: {  	_ =	shalt  }
0x85: {  	_ =	shalt  }
0x86: {  	_ =	shalt  }
0x87: {  	_ =	shalt  }
.Lfunc_end0:
.L_simem_size_0:
called_computation.2_lowered:
.L_overlay_start_0:
0x88: {  	s2 =	sld [smem:$0x3FD9]  }
0x89: {  	s3 =	sld [smem:$0x3FFE];
	_ =	sdelay $0x1  }
0x8a: {  	s1 =	srdreg.scid  }
0x8b: {  	s0 =	sand.u32 $0x1, s1  }
0x8c: {  	s14 =	sshll.u32 s0, $0xA;
	s2 =	sadd.s32 s3, s2  }
0x8d: {  	s2 =	sadd.s32 s2, s14  }
0x8e: {  	[smem:$0x3FC0] =	sst s2  }
0x8f: {  	_ = 	snop  }
0x90: {  	s2 =	sld [smem:$0x3FD0];
	_ =	sdelay $0x2  }
0x91: {  	s15 =	simm.s32 $0xA;
	s4 =	simm.s32 $0x10  }
0x92: {  	[smem:s4], [sflag:s15] =	dma.local [hbm:s2], $0x1  }
0x93: {  	_ =	swait.eq [sflag:s15], $0x1  }
0x94: {  	[sflag:s15] =	ssyncset.done $0x0  }
0x95: {  	s16 =	sld [smem:$0x10];
	[sflag:s15] =	ssyncadd.s32 $0xFFFFFFFF  }
0x96: {  	s17 =	sld [smem:$0x11];
	(tm) =	ssettm $0x1  }
0x97: {  	s18 =	sld [smem:$0x3FFB];
	_ =	sdelay $0x3  }
0x98: {  	_ =	strace s18  }
0x99: {  	s4 =	sld [smem:$0x3FFC];
	_ =	sdelay $0x3  }
0x9a: {  	_ =	strace s4  }
0x9b: {  	s4 =	sld [smem:$0x3FFD];
	_ =	sdelay $0x3  }
0x9c: {  	_ =	strace s4  }
0x9d: {  	_ =	strace $0x8FFFFFFF  }
0x9e: {  	s19 =	sld [smem:$0x3FDB];
	_ =	sdelay $0x1  }
0x9f: {  	s5 =	simm.s32 $_scs_section_size  }
0xa0: {  	s6 =	simm.s32 $_size__tile_overlayer_lowered;
	s7 =	simm.s32 $_tile_overlayer_lowered  }
0xa1: {  	s22 =	simm.s32 $0x1BFF;
	s21 =	sshll.u32 s7, $0x1;
	s4 =	sadd.s32 s5, s19  }
0xa2: {  	s8 =	simm.s32 $0x0;
	s20 =	sshll.u32 s6, $0x1;
	s6 =	sadd.s32 s21, s4  }
0xa3: {  	[timem:s8], [sflag:s22] =	dma.local [hbm:s6], s20  }
0xa4: {  	_ =	swait.ge [sflag:s22], s20  }
0xa5: {  	s5 =	ssub.s32 $0x0, s20;
	[sflag:s22] =	ssyncset.done $0x0  }
0xa6: {  	[sflag:s22] =	ssyncadd.s32 s5;
	_ =	sdelay $0x1  }
0xa7: {  	s23 =	simm.s32 $0x1B8B  }
0xa8: {  	_ =	swait.ge [sflag:s23], $0x1  }
0xa9: {  	[sflag:s23] =	ssyncset.done $0x0  }
0xaa: {  	s25 =	simm.s32 $0x1B8E;
	s24 =	sld [smem:$0x3FFE];
	[sflag:s23] =	ssyncadd.s32 $0xFFFFFFFF  }
0xab: {  	s26 =	simm.s32 $execute0_lowered;
	[smem:$0x3FD2] =	sst s25  }
0xac: {  	s6 =	sshll.u32 s26, $0x1;
	_ =	strace $0x8000004C;
	[dreg:$0x1] =	wrdreg $0xFFFFFFFF  }
0xad: {  	s28 =	simm.s32 $_size_execute0_lowered;
	s4 =	sadd.s32 s4, s6;
	[dreg:$0x0] =	wrdreg $0x0  }
0xae: {  	s6 =	sshll.u32 s28, $0x1;
	[dreg:$0x2] =	wrdreg s4  }
0xaf: {  	[dreg:$0x3] =	wrdreg s6  }
0xb0: {  	[dreg:$0x4] =	wrdreg $0xC0  }
0xb1: {  	_ =	task [dreg:s8], $0x5FFFF  }
0xb2: {  	[dreg:$0x1] =	wrdreg $0xFFFFFFFF  }
0xb3: {  	[dreg:$0x0] =	wrdreg $0x60  }
0xb4: {  	[dreg:$0x2] =	wrdreg s16  }
0xb5: {  	[dreg:$0x3] =	wrdreg s24  }
0xb6: {  	[dreg:$0x4] =	wrdreg s17  }
0xb7: {  	[dreg:$0x5] =	wrdreg $0x62200  }
0xb8: {  	[dreg:$0x6] =	wrdreg $0x9  }
0xb9: {  	_ =	task.clear_ibuf [dreg:s8], $0x7FFFF;
	_ =	strace $0x9000004C  }
0xba: {  	s29 =	simm.s32 $0x9;
	_ =	strace $0x8000004E  }
0xbb: {  	_ =	swait.ge [sflag:s29], $0x1  }
0xbc: {  	[sflag:s29] =	ssyncadd.s32 $0xFFFFFFFF  }
0xbd: {  	_ =	strace $0x9000004E  }
0xbe: {  	_ =	sfence  }
0xbf: {  	s30 =	sld [smem:$0x0];
	_ =	sdelay $0x2  }
0xc0: {  	s31 =	sshll.u32 s1, $0xD;
	s1 =	sshrl.u32 s1, $0x2  }
0xc1: {  	s3 =	sand.u32 $0x4000, s31;
	s1 =	sadd.s32 s1, s30  }
0xc2: {  	s0 =	sor.u32 s3, s0;
	s1 =	sshll.u32 s1, $0x11  }
0xc3: {  	s0 =	sor.u32 s1, s0  }
0xc4: {  	s0 =	sadd.s32 $0x8F2B, s0  }
0xc5: {  	[sflag:s0] =	ssyncadd.remote.s32 $0x1  }
0xc6: {  	_ =	sfence.sel $0xFFFF  }
0xc7: {  	[dreg:$0x0] =	wrdreg $0xFFFFFFFF;
	(pc) =	sbr.abs _section_cstart, $3  }
0xc8: {  	[dreg:$0x1] =	wrdreg $0xFFFFFFFF  }
0xc9: {  	_ =	task.clear_ibuf [dreg:s8], $0x2FFFF;
	_ =	strace $0x9FFFFFFF  }
0xca: {  	(tm) =	ssettm $0x7FFFFFFF  }
0xcb: {  	_ =	shalt  }
tec
execute0_lowered:
.L_overlay_start_1:
0x0: {  	(tag) =	ssettag $0x1  }
0x1: {  	s7 =	rddreg [dreg:$0x0]  }
0x2: {  	s6 =	rddreg [dreg:$0x1]  }
0x3: {  	s0 =	srdreg.scid;
	s2 =	rddreg [dreg:$0x2]  }
0x4: {  	s3 =	rddreg [dreg:$0x3];
	s4 =	simm.s32 $0x0;
	s15 =	simm.s32 $0x4E20  }
0x5: {  	s16 =	simm.s32 $0x1;
	s5 =	sand.u32 $0x1, s0;
	s0 =	stileid.u32  }
0x6: {  	s17 =	simm.s32 $0x0;
	[smem:$0x7FF] =	sst s4;
	s9 =	smul.u32 $0xA000, s0  }
0x7: {  	s1 =	sshll.u32 s5, $0x4;
	s10 =	smul.u32 $0xA0000, s5;
	s5 =	ssub.s32 $0x2, s5  }
0x8: {  	s31 =	sshll.u32 s0, $0x6;
	s1 =	sor.u32 s0, s1;
	s13 =	sshrl.u32 s5, $0x1  }
0x9: {  	s8 =	smul.u32 $0x4E2, s1;
	s1 =	rddreg [dreg:$0x4];
	_ =	strace $0x8000004D  }
0xa: {  	s10 =	sadd.s32 s9, s10;
	s12 =	sshrl.u32 s9, $0x3;
	s13 =	ssub.s32 s5, s13  }
0xb: {  	s14 =	sadd.s32 s9, s3;
	s10 =	sshrl.u32 s10, $0x3;
	s12 =	sadd.s32 s12, s6  }
0xc: {  	s11 =	sadd.s32 s8, s6;
	s10 =	sadd.s32 s10, s6;
	s5 =	sadd.s32 $0x5AE00, s12  }
0xd: {  	s6 =	sor.u32 $0x1C02, s31;
	s7 =	sadd.s32 s7, s8;
	s12 =	simm.s32 $0x2  }
0xe: {  	s8 =	sadd.s32 $0x2C00, s11;
	s9 =	sadd.s32 $0x6EE00, s10;
	s10 =	smax.u32 s13, $0x1  }
0xf: {  	s11 =	sshrl.u32 s14, $0x3;
	s13 =	simm.s32 $0x2710;
	s14 =	simm.s32 $0x50  }
.LBB2_1:
0x10: {  	[spmem:s11], [sflag:s6] =	dma.local [hbm:s5], $0x1400  }
0x11: {  	_ =	swait.ge [sflag:s12], $0x1400  }
0x12: {  	[sflag:s12] =	ssyncset.done $0x0  }
0x13: {  	[sflag:s12] =	ssyncadd.s32 $0xFFFFEC00  }
0x14: {  	[tilespmem:s4], [sflag:$0x2] =	stream.linear.gather [hbm4b:s7+s4], $0x2710, $0x38;
	[tilespmem:$0x10220] =	vst v63  }
0x15: {  	_ =	swait.ge [sflag:s12], $0x2710  }
0x16: {  	[sflag:s12] =	ssyncset.done $0x0  }
0x17: {  	[sflag:s12] =	ssyncadd.s32 $0xFFFFD8F0  }
0x18: {  	[tilespmem:s13], [sflag:$0x2] =	stream.linear.gather [hbm4b:s8+s4], $0x2710, $0x38;
	[tilespmem:$0x10220] =	vst v63  }
0x19: {  	_ =	swait.ge [sflag:s12], $0x2710  }
0x1a: {  	[sflag:s12] =	ssyncset.done $0x0  }
0x1b: {  	[sflag:s12] =	ssyncadd.s32 $0xFFFFD8F0  }
0x1c: {  	s18 =	simm.s32 $0x0;
	[bflag:$0x0] =	sbarrier.arrive $0xFFFF  }
0x1d: {  	[tilespmem:s15], [sflag:$0x1] =	stream.indirect.gather [hbm4b:s2+s14], $0x40, s18, s14, $0xb8;
	[tilespmem:$0x10220] =	vst v63  }
0x1e: {  	_ =	swait.ge [sflag:s16], $0x1400  }
0x1f: {  	[sflag:s16] =	ssyncset.done $0x0  }
0x20: {  	s31 =	simm.s32 $0x2710;
	[sflag:s16] =	ssyncadd.s32 $0xFFFFEC00  }
0x21: {  	[spmem:s3] =	stream.indirect.scatter.add.f32 [tilespmem:s15], [sflag:$0x2], $0x40, s31, s14, $0xb8;
	[tilespmem:$0x10220] =	vst v63  }
0x22: {  	_ =	swait.ge [sflag:s12], $0x1400  }
0x23: {  	s19 =	simm.s32 $0x280;
	s18 =	simm.s32 $0x140;
	[sflag:s12] =	ssyncset.done $0x0  }
.LBB2_2:
0x24: {  	s20 =	sshra.s32 s18, $0x2  }
0x25: {  	[sflag:s12] =	ssyncadd.s32 $0xFFFFEC00;
	s18 =	smov.u32 s19;
	s21 =	sadd.s32 $0x140, s19  }
0x26: {  	[tilespmem:s15], [sflag:$0x1] =	stream.indirect.gather [hbm4b:s2+s14], $0x40, s20, s14, $0xb8;
	[tilespmem:$0x10220] =	vst v63  }
0x27: {  	p0 =	sne.s32 s19, $0x9B00;
	_ =	swait.ge [sflag:s16], $0x1400  }
.Ltmp0:
0x28: {  	[sflag:s16] =	ssyncset.done $0x0;
	(pc) =	sbr.rel @p0 .LBB2_2-.Ltmp0, $4  }
0x29: {  	s19 =	sadd.s32 $0x2710, s20;
	[sflag:s16] =	ssyncadd.s32 $0xFFFFEC00  }
0x2a: {  	[spmem:s3] =	stream.indirect.scatter.add.f32 [tilespmem:s15], [sflag:$0x2], $0x40, s19, s14, $0xb8;
	[tilespmem:$0x10220] =	vst v63  }
0x2b: {  	_ =	swait.ge [sflag:s12], $0x1400  }
0x2c: {  	s19 =	smov.u32 s21;
	[sflag:s12] =	ssyncset.done $0x0  }
0x2d: {  	s18 =	sshra.s32 s18, $0x2;
	[sflag:s12] =	ssyncadd.s32 $0xFFFFEC00  }
0x2e: {  	[tilespmem:s15], [sflag:$0x1] =	stream.indirect.gather [hbm4b:s2+s14], $0x40, s18, s14, $0xb8;
	[tilespmem:$0x10220] =	vst v63  }
0x2f: {  	_ =	swait.ge [sflag:s16], $0x1400  }
0x30: {  	[sflag:s16] =	ssyncset.done $0x0  }
0x31: {  	s18 =	sadd.s32 $0x2710, s18;
	[sflag:s16] =	ssyncadd.s32 $0xFFFFEC00  }
0x32: {  	[spmem:s3] =	stream.indirect.scatter.add.f32 [tilespmem:s15], [sflag:$0x2], $0x40, s18, s14, $0xb8;
	[tilespmem:$0x10220] =	vst v63  }
0x33: {  	_ =	swait.ge [sflag:s12], $0x1400  }
0x34: {  	s17 =	sadd.s32 $0x1, s17;
	[sflag:s12] =	ssyncset.done $0x0  }
0x35: {  	p0 =	sne.s32 s17, s10;
	[sflag:s12] =	ssyncadd.s32 $0xFFFFEC00  }
.Ltmp1:
0x36: {  	[bflag:$0x0] =	sbarrier.arrive $0xFFFF;
	(pc) =	sbr.rel @p0 .LBB2_1-.Ltmp1, $4  }
0x37: {  	[hbm:s9], [sflag:s6] =	dma.local [spmem:s11], $0x1400  }
0x38: {  	_ =	swait.ge [sflag:s12], $0x1400  }
0x39: {  	[sflag:s12] =	ssyncset.done $0x0  }
0x3a: {  	[sflag:s12] =	ssyncadd.s32 $0xFFFFEC00  }
0x3b: {  	_ =	sfence.sel $0x180000  }
0x3c: {  	[bflag:$0x0] =	sbarrier.arrive $0xFFFF  }
0x3d: {  	p0 =	sne.s32 s0, $0x0;
	_ =	strace $0x9000004D  }
0x3e: {  	s0 =	sadd.s32 @!p0 $0x100000, s1;
	[bflag:$0x2] =	sbarrier.arrive $0xFFFF  }
0x3f: {  	[sflag:s0] =	ssyncadd.tile.s32 @!p0 $0x1;
	_ =	shalt  }
.Lfunc_end2:
_tile_overlayer_lowered:
.L_overlay_start_2:
0x40: {  	(tag) =	ssettag $0x2  }
0x41: {  	s0 =	rddreg [dreg:$0x0];
	s2 =	stileid.u32  }
0x42: {  	s1 =	rddreg [dreg:$0x1];
	p0 =	sne.s32 s2, $0x0  }
0x43: {  	s3 =	rddreg [dreg:$0x2];
	[bflag:$0x3] =	sbarrier.arrive $0xFFFF;
	s2 =	simm.s32 @!p0 $0x1C02  }
0x44: {  	[timem:s3], [sflag:s2] =	dma.local @!p0 [hbm:s0], s1  }
0x45: {  	s0 =	simm.s32 @!p0 $0x2  }
0x46: {  	_ =	swait.ge @!p0 [sflag:s0], s1  }
0x47: {  	s1 =	ssub.s32 @!p0 $0x0, s1;
	[sflag:s0] =	ssyncset.done @!p0 $0x0  }
0x48: {  	[sflag:s0] =	ssyncadd.s32 @!p0 s1  }
0x49: {  	[bflag:$0x3] =	sbarrier.arrive $0xFFFF  }
0x4a: {  	_ =	shalt  }

// kernel: kernel.8.cloned.1.call-start
scs
__scs_entry_jumppad:
0x0: {  	(pc) =	sbr.rel $0x88, $3  }
0x1: {  	(tag) =	ssettag $0x0;
	lr =	simm.s32 $0x1  }
0x2: {  	[smem:$0x3F99] =	sst lr;
	_ =	strace $0xD0000000  }
0x3: {  	_ = 	snop  }
0x4: {  	_ = 	snop  }
0x5: {  	_ = 	snop  }
0x6: {  	_ = 	snop  }
0x7: {  	_ = 	snop  }
__scs_overlays_trampoline_lowered:
0x8: {  	[smem:$0x3FA8] =	sst s0  }
0x9: {  	[smem:$0x3FA9] =	sst s1  }
0xa: {  	[smem:$0x3FAA] =	sst s2  }
0xb: {  	[smem:$0x3FAB] =	sst s3  }
0xc: {  	[smem:$0x3FAC] =	sst s4  }
0xd: {  	[smem:$0x3FAD] =	sst s5  }
0xe: {  	[smem:$0x3FAE] =	sst s6  }
0xf: {  	[smem:$0x3FAF] =	sst s7  }
0x10: {  	[smem:$0x3FB0] =	sst s8  }
0x11: {  	[smem:$0x3FB1] =	sst s9;
	s0 =	simm.s32 @!p0 $0x0  }
0x12: {  	s1 =	sld [smem:$0x3F97];
	s0 =	simm.s32 @p0 $0x1  }
0x13: {  	[smem:$0x3FB2] =	sst s0;
	s0 =	simm.s32 @!p1 $0x0  }
0x14: {  	s2 =	sld [smem:$0x3F96];
	s0 =	simm.s32 @p1 $0x1  }
0x15: {  	[smem:$0x3FB3] =	sst s0;
	s0 =	simm.s32 @!p2 $0x0  }
0x16: {  	s3 =	sld [smem:$0x3FDB];
	s0 =	simm.s32 @p2 $0x1  }
0x17: {  	s4 =	simm.s32 $0x1BF5;
	[smem:$0x3FB5] =	sst s0  }
0x18: {  	s0 =	sld [smem:$0x3F98];
	_ =	swait.ge [sflag:s4], $0x0  }
0x19: {  	s7 =	sld [smem:$0x3F99]  }
0x1a: {  	s8 =	sadd.s32 $0xFFFFE003, lr  }
0x1b: {  	s9 =	sadd.s32 $0xFFFFFEF7, lr;
	s5 =	simm.s32 $0xFFFFFFFF;
	p2 =	slt.u32 s8, $0xFFFFF086  }
0x1c: {  	p1 =	slt.u32 s9, $0xF7A;
	s5 =	simm.s32 @!p2 $0x0  }
0x1d: {  	s5 =	simm.s32 @p1 $0x1;
	p0 =	seq.s32 s7, s2  }
0x1e: {  	s7 =	smul.u32 @!p0 $0xF7A, s2;
	p2 =	seq.s32 @!p0 s5, $0x0  }
0x1f: {  	s9 =	smul.u32 $0xF7A, s1;
	s8 =	simm.s32 @!p0 $0x1BF5;
	p2 =	por !p2, p0  }
0x20: {  	[sflag:s8] =	ssyncset.s32 @!p0 $0xFFFFF086;
	s6 =	sadd.s32 @!p0 s3, s7;
	s7 =	simm.s32 @!p0 $0x108  }
0x21: {  	s3 =	sadd.s32 s3, s9;
	s6 =	sadd.s32 @!p0 $0x88, s6;
	s7 =	simm.s32 @p2 $0x1082  }
0x22: {  	[simem:s7], [sflag:s8] =	dma.local @!p0 [hbm:s6], $0xF7A  }
0x23: {  	s9 =	sor.u32 $0xD0000000, s2;
	s6 =	simm.s32 $0x108;
	_ =	swait.ge @!p0 [sflag:s8], $0x0  }
0x24: {  	s3 =	sadd.s32 $0x88, s3;
	s6 =	simm.s32 @!p1 $0x1082;
	[sflag:s4] =	ssyncset.s32 $0xFFFFF086  }
0x25: {  	[simem:s6], [sflag:s4] =	dma.local [hbm:s3], $0xF7A  }
0x26: {  	[smem:$0x3F99] =	sst s1;
	(tag) =	ssettag s2;
	_ =	strace s9  }
0x27: {  	s1 =	sld [smem:$0x3FA9]  }
0x28: {  	s2 =	sld [smem:$0x3FAA]  }
0x29: {  	s4 =	sld [smem:$0x3FAC]  }
0x2a: {  	p0 =	seq.s32 s5, $0x0;
	s5 =	sld [smem:$0x3FAD]  }
0x2b: {  	s6 =	sld [smem:$0x3FAE]  }
0x2c: {  	s7 =	sld [smem:$0x3FAF]  }
0x2d: {  	s3 =	simm.s32 $0x108;
	s8 =	sld [smem:$0x3FB0]  }
0x2e: {  	s3 =	simm.s32 @!p0 $0x1082;
	s9 =	sld [smem:$0x3FB1]  }
0x2f: {  	lr =	sadd.s32 s0, s3;
	s0 =	sld [smem:$0x3FA8]  }
0x30: {  	s3 =	sld [smem:$0x3FAB]  }
0x31: {  	[smem:$0x3FB4] =	sst s10  }
0x32: {  	s10 =	sld [smem:$0x3FB2];
	_ =	sdelay $0x3  }
0x33: {  	p0 =	seq.s32 s10, $0x1;
	s10 =	sld [smem:$0x3FB4];
	_ =	sdelay $0x3  }
0x34: {  	[smem:$0x3FB4] =	sst s10  }
0x35: {  	s10 =	sld [smem:$0x3FB3];
	_ =	sdelay $0x3  }
0x36: {  	p1 =	seq.s32 s10, $0x1;
	s10 =	sld [smem:$0x3FB4];
	_ =	sdelay $0x3  }
0x37: {  	[smem:$0x3FB4] =	sst s10  }
0x38: {  	s10 =	sld [smem:$0x3FB5]  }
0x39: {  	_ = 	snop;
	(pc) =	sbr.ind lr, $3  }
0x3a: {  	_ = 	snop  }
0x3b: {  	_ = 	snop  }
0x3c: {  	p2 =	seq.s32 s10, $0x1;
	s10 =	sld [smem:$0x3FB4]  }
0x3d: {  	_ =	shalt  }
0x3e: {  	_ =	shalt  }
0x3f: {  	_ =	shalt  }
0x40: {  	_ =	shalt  }
0x41: {  	_ =	shalt  }
0x42: {  	_ =	shalt  }
0x43: {  	_ =	shalt  }
0x44: {  	_ =	shalt  }
0x45: {  	_ =	shalt  }
0x46: {  	_ =	shalt  }
0x47: {  	_ =	shalt  }
0x48: {  	_ =	shalt  }
0x49: {  	_ =	shalt  }
0x4a: {  	_ =	shalt  }
0x4b: {  	_ =	shalt  }
0x4c: {  	_ =	shalt  }
0x4d: {  	_ =	shalt  }
0x4e: {  	_ =	shalt  }
0x4f: {  	_ =	shalt  }
0x50: {  	_ =	shalt  }
0x51: {  	_ =	shalt  }
0x52: {  	_ =	shalt  }
0x53: {  	_ =	shalt  }
0x54: {  	_ =	shalt  }
0x55: {  	_ =	shalt  }
0x56: {  	_ =	shalt  }
0x57: {  	_ =	shalt  }
0x58: {  	_ =	shalt  }
0x59: {  	_ =	shalt  }
0x5a: {  	_ =	shalt  }
0x5b: {  	_ =	shalt  }
0x5c: {  	_ =	shalt  }
0x5d: {  	_ =	shalt  }
0x5e: {  	_ =	shalt  }
0x5f: {  	_ =	shalt  }
0x60: {  	_ =	shalt  }
0x61: {  	_ =	shalt  }
0x62: {  	_ =	shalt  }
0x63: {  	_ =	shalt  }
0x64: {  	_ =	shalt  }
0x65: {  	_ =	shalt  }
0x66: {  	_ =	shalt  }
0x67: {  	_ =	shalt  }
0x68: {  	_ =	shalt  }
0x69: {  	_ =	shalt  }
0x6a: {  	_ =	shalt  }
0x6b: {  	_ =	shalt  }
0x6c: {  	_ =	shalt  }
0x6d: {  	_ =	shalt  }
0x6e: {  	_ =	shalt  }
0x6f: {  	_ =	shalt  }
0x70: {  	_ =	shalt  }
0x71: {  	_ =	shalt  }
0x72: {  	_ =	shalt  }
0x73: {  	_ =	shalt  }
0x74: {  	_ =	shalt  }
0x75: {  	_ =	shalt  }
0x76: {  	_ =	shalt  }
0x77: {  	_ =	shalt  }
0x78: {  	_ =	shalt  }
0x79: {  	_ =	shalt  }
0x7a: {  	_ =	shalt  }
0x7b: {  	_ =	shalt  }
0x7c: {  	_ =	shalt  }
0x7d: {  	_ =	shalt  }
0x7e: {  	_ =	shalt  }
0x7f: {  	_ =	shalt  }
0x80: {  	_ =	shalt  }
0x81: {  	_ =	shalt  }
0x82: {  	_ =	shalt  }
0x83: {  	_ =	shalt  }
0x84: {  	_ =	shalt  }
0x85: {  	_ =	shalt  }
0x86: {  	_ =	shalt  }
0x87: {  	_ =	shalt  }
.Lfunc_end0:
.L_simem_size_0:
called_computation_lowered:
.L_overlay_start_0:
0x88: {  	s2 =	sld [smem:$0x3FD9]  }
0x89: {  	s3 =	sld [smem:$0x3FFE];
	_ =	sdelay $0x1  }
0x8a: {  	s1 =	srdreg.scid  }
0x8b: {  	s0 =	sand.u32 $0x1, s1  }
0x8c: {  	s14 =	sshll.u32 s0, $0xA;
	s2 =	sadd.s32 s3, s2  }
0x8d: {  	s2 =	sadd.s32 s2, s14  }
0x8e: {  	[smem:$0x3FC0] =	sst s2  }
0x8f: {  	_ = 	snop  }
0x90: {  	s2 =	sld [smem:$0x3FD0];
	_ =	sdelay $0x2  }
0x91: {  	s15 =	simm.s32 $0xA;
	s4 =	simm.s32 $0x10  }
0x92: {  	[smem:s4], [sflag:s15] =	dma.local [hbm:s2], $0x1  }
0x93: {  	_ =	swait.eq [sflag:s15], $0x1  }
0x94: {  	[sflag:s15] =	ssyncset.done $0x0  }
0x95: {  	[sflag:s15] =	ssyncadd.s32 $0xFFFFFFFF  }
0x96: {  	s16 =	sld [smem:$0x11];
	(tm) =	ssettm $0x1  }
0x97: {  	s17 =	sld [smem:$0x3FFB];
	_ =	sdelay $0x3  }
0x98: {  	_ =	strace s17  }
0x99: {  	s3 =	sld [smem:$0x3FFC];
	_ =	sdelay $0x3  }
0x9a: {  	_ =	strace s3  }
0x9b: {  	s3 =	sld [smem:$0x3FFD];
	_ =	sdelay $0x3  }
0x9c: {  	_ =	strace s3  }
0x9d: {  	_ =	strace $0x8FFFFFFF  }
0x9e: {  	s18 =	sld [smem:$0x3FDB];
	_ =	sdelay $0x1  }
0x9f: {  	s19 =	simm.s32 $_scs_section_size  }
0xa0: {  	s5 =	simm.s32 $_size__tile_overlayer_lowered;
	s6 =	simm.s32 $_tile_overlayer_lowered  }
0xa1: {  	s22 =	simm.s32 $0x1BFF;
	s21 =	sshll.u32 s6, $0x1;
	s3 =	sadd.s32 s19, s18  }
0xa2: {  	s7 =	simm.s32 $0x0;
	s20 =	sshll.u32 s5, $0x1;
	s5 =	sadd.s32 s21, s3  }
0xa3: {  	[timem:s7], [sflag:s22] =	dma.local [hbm:s5], s20  }
0xa4: {  	_ =	swait.ge [sflag:s22], s20  }
0xa5: {  	s4 =	ssub.s32 $0x0, s20;
	[sflag:s22] =	ssyncset.done $0x0  }
0xa6: {  	[sflag:s22] =	ssyncadd.s32 s4;
	_ =	sdelay $0x1  }
0xa7: {  	s23 =	simm.s32 $0x1B8B  }
0xa8: {  	_ =	swait.ge [sflag:s23], $0x1  }
0xa9: {  	[sflag:s23] =	ssyncset.done $0x0  }
0xaa: {  	s25 =	simm.s32 $0x1B8E;
	s24 =	sld [smem:$0x3FFE];
	[sflag:s23] =	ssyncadd.s32 $0xFFFFFFFF  }
0xab: {  	s26 =	simm.s32 $execute0_lowered;
	[smem:$0x3FD2] =	sst s25  }
0xac: {  	s5 =	sshll.u32 s26, $0x1;
	_ =	strace $0x80000046;
	[dreg:$0x1] =	wrdreg $0xFFFFFFFF  }
0xad: {  	s28 =	simm.s32 $_size_execute0_lowered;
	s3 =	sadd.s32 s3, s5;
	[dreg:$0x0] =	wrdreg $0x0  }
0xae: {  	s5 =	sshll.u32 s28, $0x1;
	[dreg:$0x2] =	wrdreg s3  }
0xaf: {  	[dreg:$0x3] =	wrdreg s5  }
0xb0: {  	[dreg:$0x4] =	wrdreg $0xC0  }
0xb1: {  	_ =	task [dreg:s7], $0x5FFFF  }
0xb2: {  	[dreg:$0x1] =	wrdreg $0xFFFFFFFF  }
0xb3: {  	[dreg:$0x0] =	wrdreg $0x60  }
0xb4: {  	[dreg:$0x2] =	wrdreg s16  }
0xb5: {  	[dreg:$0x3] =	wrdreg s24  }
0xb6: {  	[dreg:$0x4] =	wrdreg $0x68000  }
0xb7: {  	[dreg:$0x5] =	wrdreg $0x9  }
0xb8: {  	_ =	task.clear_ibuf [dreg:s7], $0x6FFFF;
	_ =	strace $0x90000046  }
0xb9: {  	s29 =	simm.s32 $0x9;
	_ =	strace $0x80000048  }
0xba: {  	_ =	swait.ge [sflag:s29], $0x1  }
0xbb: {  	[sflag:s29] =	ssyncadd.s32 $0xFFFFFFFF  }
0xbc: {  	_ =	strace $0x90000048  }
0xbd: {  	_ =	sfence  }
0xbe: {  	s30 =	sld [smem:$0x0];
	_ =	sdelay $0x2  }
0xbf: {  	s31 =	sshll.u32 s1, $0xD;
	s1 =	sshrl.u32 s1, $0x2  }
0xc0: {  	s3 =	sand.u32 $0x4000, s31;
	s1 =	sadd.s32 s1, s30  }
0xc1: {  	s0 =	sor.u32 s3, s0;
	s1 =	sshll.u32 s1, $0x11  }
0xc2: {  	s0 =	sor.u32 s1, s0  }
0xc3: {  	s0 =	sadd.s32 $0x8F2B, s0  }
0xc4: {  	[sflag:s0] =	ssyncadd.remote.s32 $0x1  }
0xc5: {  	_ =	sfence.sel $0xFFFF  }
0xc6: {  	[dreg:$0x0] =	wrdreg $0xFFFFFFFF;
	(pc) =	sbr.abs _section_cstart, $3  }
0xc7: {  	[dreg:$0x1] =	wrdreg $0xFFFFFFFF  }
0xc8: {  	_ =	task.clear_ibuf [dreg:s7], $0x2FFFF;
	_ =	strace $0x9FFFFFFF  }
0xc9: {  	(tm) =	ssettm $0x7FFFFFFF  }
tec
execute0_lowered:
.L_overlay_start_1:
0x0: {  	(tag) =	ssettag $0x1  }
0x1: {  	s6 =	rddreg [dreg:$0x0]  }
0x2: {  	s5 =	rddreg [dreg:$0x1]  }
0x3: {  	s2 =	rddreg [dreg:$0x2]  }
0x4: {  	s0 =	stileid.u32;
	s7 =	srdreg.scid  }
0x5: {  	s1 =	rddreg [dreg:$0x3];
	s3 =	simm.s32 $0x0;
	s13 =	simm.s32 $0x50  }
0x6: {  	s14 =	simm.s32 $0x0;
	s4 =	smul.u32 $0x14000, s0;
	s7 =	sand.u32 $0x1, s7  }
0x7: {  	[smem:$0x7FF] =	sst s3;
	s11 =	smul.u32 $0x50000, s0;
	s30 =	sshll.u32 s0, $0xB  }
0x8: {  	s31 =	sshll.u32 s0, $0x6;
	s9 =	smul.u32 $0x140000, s7;
	_ =	strace $0x80000047  }
0x9: {  	s10 =	ssub.s32 $0x2, s7;
	s7 =	sshll.u32 s7, $0xF;
	s8 =	sshrl.u32 s4, $0x3  }
0xa: {  	s12 =	sshrl.u32 s10, $0x1;
	s29 =	sshrl.u32 s11, $0x2;
	s8 =	sadd.s32 s8, s5  }
0xb: {  	s9 =	sadd.s32 s4, s9;
	s4 =	sadd.s32 $0x34A00, s5;
	s10 =	ssub.s32 s10, s12  }
0xc: {  	s11 =	sadd.s32 s29, s2;
	s12 =	simm.s32 $0x4000;
	s9 =	sshrl.u32 s9, $0x3  }
0xd: {  	s9 =	sadd.s32 s9, s5;
	s5 =	sadd.s32 $0xCA00, s8;
	s8 =	sadd.s32 s6, s30  }
0xe: {  	s6 =	sor.u32 $0x1C01, s31;
	s7 =	sadd.s32 s7, s8;
	s8 =	sadd.s32 $0x35000, s9  }
0xf: {  	s9 =	smax.u32 s10, $0x1;
	s10 =	sshrl.u32 s11, $0x3;
	s11 =	simm.s32 $0x1  }
.LBB2_1:
0x10: {  	[spmem:s10], [sflag:s6] =	dma.local [hbm:s5], $0x2800  }
0x11: {  	_ =	swait.ge [sflag:s11], $0x2800  }
0x12: {  	[sflag:s11] =	ssyncset.done $0x0  }
0x13: {  	[sflag:s11] =	ssyncadd.s32 $0xFFFFD800  }
0x14: {  	[tilespmem:s3], [sflag:$0x1] =	stream.linear.gather [hbm4b:s7+s3], $0x3E80, $0x38;
	[tilespmem:$0x7C00] =	vst v63  }
0x15: {  	_ =	swait.ge [sflag:s11], $0x3E80  }
0x16: {  	[sflag:s11] =	ssyncset.done $0x0  }
0x17: {  	[sflag:s11] =	ssyncadd.s32 $0xFFFFC180  }
0x18: {  	[tilespmem:s12], [sflag:$0x1] =	stream.linear.gather [hbm4b:s4+s3], $0x2800, $0x38;
	[tilespmem:$0x7C00] =	vst v63  }
0x19: {  	_ =	swait.ge [sflag:s11], $0x2800  }
0x1a: {  	[sflag:s11] =	ssyncset.done $0x0  }
0x1b: {  	[sflag:s11] =	ssyncadd.s32 $0xFFFFD800  }
0x1c: {  	s15 =	simm.s32 $0x0;
	[bflag:$0x0] =	sbarrier.arrive $0xFFFF  }
0x1d: {  	[spmem:s2] =	stream.indirect.scatter.add.f32 [tilespmem:s12], [sflag:$0x1], $0x8, s15, s13, $0xb8;
	[tilespmem:$0x7C00] =	vst v63  }
0x1e: {  	_ =	swait.ge [sflag:s11], $0x280  }
0x1f: {  	s15 =	simm.s32 $0x200;
	[sflag:s11] =	ssyncset.done $0x0  }
.LBB2_2:
0x20: {  	s16 =	sshra.s32 s15, $0x2;
	[sflag:s11] =	ssyncadd.s32 $0xFFFFFD80;
	p0 =	sne.s32 s15, $0xF800  }
0x21: {  	[spmem:s2] =	stream.indirect.scatter.add.f32 [tilespmem:s12], [sflag:$0x1], $0x8, s16, s13, $0xb8;
	[tilespmem:$0x7C00] =	vst v63  }
.Ltmp0:
0x22: {  	_ = 	snop;
	(pc) =	sbr.rel @p0 .LBB2_2-.Ltmp0, $4  }
0x23: {  	_ = 	snop  }
0x24: {  	s15 =	sadd.s32 $0x200, s15  }
0x25: {  	_ =	swait.ge [sflag:s11], $0x280  }
0x26: {  	[sflag:s11] =	ssyncset.done $0x0  }
0x27: {  	s14 =	sadd.s32 $0x1, s14  }
0x28: {  	[sflag:s11] =	ssyncadd.s32 $0xFFFFFD80;
	p0 =	sne.s32 s14, s9  }
.Ltmp1:
0x29: {  	[bflag:$0x0] =	sbarrier.arrive $0xFFFF;
	(pc) =	sbr.rel @p0 .LBB2_1-.Ltmp1, $4  }
0x2a: {  	[hbm:s8], [sflag:s6] =	dma.local [spmem:s10], $0x2800  }
0x2b: {  	_ =	swait.ge [sflag:s11], $0x2800  }
0x2c: {  	[sflag:s11] =	ssyncset.done $0x0  }
0x2d: {  	[sflag:s11] =	ssyncadd.s32 $0xFFFFD800  }
0x2e: {  	_ =	sfence.sel $0x180000  }
0x2f: {  	[bflag:$0x0] =	sbarrier.arrive $0xFFFF  }
0x30: {  	p0 =	sne.s32 s0, $0x0;
	_ =	strace $0x90000047  }
0x31: {  	s0 =	sadd.s32 @!p0 $0x100000, s1;
	[bflag:$0x2] =	sbarrier.arrive $0xFFFF  }
0x32: {  	[sflag:s0] =	ssyncadd.tile.s32 @!p0 $0x1;
	_ =	shalt  }
.Lfunc_end2:
_tile_overlayer_lowered:
.L_overlay_start_2:
0x33: {  	(tag) =	ssettag $0x2  }
0x34: {  	s0 =	rddreg [dreg:$0x0];
	s2 =	stileid.u32  }
0x35: {  	s1 =	rddreg [dreg:$0x1];
	p0 =	sne.s32 s2, $0x0  }
0x36: {  	s3 =	rddreg [dreg:$0x2];
	[bflag:$0x3] =	sbarrier.arrive $0xFFFF;
	s2 =	simm.s32 @!p0 $0x1C01  }
0x37: {  	[timem:s3], [sflag:s2] =	dma.local @!p0 [hbm:s0], s1  }
0x38: {  	s0 =	simm.s32 @!p0 $0x1  }
0x39: {  	_ =	swait.ge @!p0 [sflag:s0], s1  }
0x3a: {  	s1 =	ssub.s32 @!p0 $0x0, s1;
	[sflag:s0] =	ssyncset.done @!p0 $0x0  }
0x3b: {  	[sflag:s0] =	ssyncadd.s32 @!p0 s1  }
0x3c: {  	[bflag:$0x3] =	sbarrier.arrive $0xFFFF  }
0x3d: {  	_ =	shalt  }

</sc_bundles>
